<compile_context>
chip_gen: v7x
topology: tpu7x:2x2x1
jax: 0.10.2.dev20260603
libtpu: 0.0.44.dev20260713+nightly
codegen_flags: <defaults>
</compile_context>

<pallas_src>
import functools

import jax
import jax.numpy as jnp
from jax import lax
from jax.experimental import pallas as pl
from jax.experimental.pallas import tpu as pltpu
from jax.experimental.pallas import tpu_sc as plsc

_N_BUCKETS = 4
_ROWS_PER_BUCKET = 50
_N_ENTRIES = _N_BUCKETS * _ROWS_PER_BUCKET
_EMB = 128
_CHUNK = 128


def _table_kernel(inv_ref, *refs):
    out_ref = refs[-1]
    inv = lax.broadcast_in_dim(inv_ref[...], (_N_ENTRIES, 1), (0,))
    acc = jnp.zeros((_N_ENTRIES, _EMB), dtype=jnp.float32)
    for i in range(_N_BUCKETS):
        emb = refs[5 * i][...]
        w1 = refs[5 * i + 1][...]
        b1 = refs[5 * i + 2][...]
        w2 = refs[5 * i + 3][...]
        b2 = refs[5 * i + 4][...]
        h = jnp.maximum(
            jnp.dot(emb, w1, preferred_element_type=jnp.float32) + b1, 0.0)
        o = jnp.dot(h, w2, preferred_element_type=jnp.float32) + b2
        col = lax.broadcasted_iota(jnp.int32, (_N_ENTRIES, _ROWS_PER_BUCKET), 1)
        p = (inv == col + i * _ROWS_PER_BUCKET).astype(jnp.float32)
        acc = acc + jnp.dot(p, o, preferred_element_type=jnp.float32)
    out_ref[...] = acc


def _build_table(inv, embs, w1s, b1s, w2s, b2s):
    operands = [inv]
    for i in range(_N_BUCKETS):
        operands += [embs[i], w1s[i], b1s[i], w2s[i], b2s[i]]
    return pl.pallas_call(
        _table_kernel,
        out_shape=jax.ShapeDtypeStruct((_N_ENTRIES, _EMB), jnp.float32),
        compiler_params=pltpu.CompilerParams(skip_device_barrier=True),
    )(*operands)


def _sc_gather(table, idx_t):
    l, b = idx_t.shape
    info = plsc.get_sparse_core_info()
    nc, ns = info.num_cores, info.num_subcores
    nw = nc * ns
    chunk = 256
    q_per_l = b // chunk
    n_chunks = l * q_per_l

    mesh = plsc.VectorSubcoreMesh(core_axis_name="c", subcore_axis_name="s")

    @functools.partial(
        pl.kernel,
        out_type=jax.ShapeDtypeStruct((l, b, _EMB), jnp.float32),
        mesh=mesh,
        compiler_params=pltpu.CompilerParams(skip_device_barrier=True),
        scratch_types=[
            pltpu.VMEM((chunk,), jnp.int32),
            pltpu.VMEM((chunk,), jnp.int32),
            pltpu.VMEM((chunk, _EMB), jnp.float32),
            pltpu.VMEM((chunk, _EMB), jnp.float32),
            pltpu.VMEM_SHARED((_N_ENTRIES, _EMB), jnp.float32),
            pltpu.SemaphoreType.DMA,
            pltpu.SemaphoreType.DMA,
            pltpu.SemaphoreType.DMA,
            pltpu.SemaphoreType.DMA,
        ],
    )
    def gather(table_hbm, idx_hbm, out_hbm, idx_a, idx_b, rows_a, rows_b,
               table_sp, semg, semwa, semwb, semi):
        sid = lax.axis_index("s")
        wid = sid * nc + lax.axis_index("c")
        nk = (n_chunks - wid + nw - 1) // nw

        def chunk_slices(c):
            li = c // q_per_l
            off = (c % q_per_l) * chunk
            return (idx_hbm.at[li, pl.ds(off, chunk)],
                    out_hbm.at[li, pl.ds(off, chunk)])

        def idx_start(j, buf):
            idx_src, _ = chunk_slices(wid + j * nw)
            pltpu.async_copy(idx_src, buf, semi)

        def idx_wait(j, buf):
            idx_src, _ = chunk_slices(wid + j * nw)
            pltpu.make_async_copy(idx_src, buf, semi).wait()

        idx_start(0, idx_a)

        @pl.when(sid == 0)
        def _():
            pltpu.sync_copy(table_hbm, table_sp)

        plsc.subcore_barrier()

        def process(j, idx_v, idx_nxt, rows_v, semw):
            c = wid + j * nw
            _, out_dst = chunk_slices(c)

            idx_wait(j, idx_v)

            @pl.when(j >= 2)
            def _():
                _, prev_dst = chunk_slices(c - 2 * nw)
                pltpu.make_async_copy(rows_v, prev_dst, semw).wait()

            cs = [
                pltpu.async_copy(
                    table_sp.at[idx_v.at[pl.ds(s * 128, 128)]],
                    rows_v.at[pl.ds(s * 128, 128)], semg)
                for s in range(chunk // 128)
            ]

            @pl.when(j + 1 < nk)
            def _():
                idx_start(j + 1, idx_nxt)

            for copy in cs:
                copy.wait()
            pltpu.async_copy(rows_v, out_dst, semw)

        def body(j, carry):
            @pl.when((j & 1) == 0)
            def _():
                process(j, idx_a, idx_b, rows_a, semwa)

            @pl.when((j & 1) == 1)
            def _():
                process(j, idx_b, idx_a, rows_b, semwb)

            return carry

        lax.fori_loop(0, nk, body, 0)

        def drain(j):
            c = wid + j * nw
            _, out_dst = chunk_slices(c)

            @pl.when((j & 1) == 0)
            def _():
                pltpu.make_async_copy(rows_a, out_dst, semwa).wait()

            @pl.when((j & 1) == 1)
            def _():
                pltpu.make_async_copy(rows_b, out_dst, semwb).wait()

        drain(nk - 2)
        drain(nk - 1)

    return gather(table, idx_t)


def kernel(input, inverse_indices, emb0, W1_0, b1_0, W2_0, b2_0, emb1, W1_1,
           b1_1, W2_1, b2_1, emb2, W1_2, b1_2, W2_2, b2_2, emb3, W1_3, b1_3,
           W2_3, b2_3):
    b, l = input.shape
    table = _build_table(inverse_indices,
                         (emb0, emb1, emb2, emb3),
                         (W1_0, W1_1, W1_2, W1_3),
                         (b1_0, b1_1, b1_2, b1_3),
                         (W2_0, W2_1, W2_2, W2_3),
                         (b2_0, b2_1, b2_2, b2_3))
    idx_t = jnp.transpose(input.astype(jnp.int32))
    out_t = _sc_gather(table, idx_t)
    return jnp.transpose(out_t, (1, 0, 2))

# --- scband reference (transcript-rebuilt; emitter-appended) ---
"""Pipeline reference for scband-variable-sized-embedding-55061480735168 (READ-ONLY COPY).

The authoritative reference and input builder live on the scoring server;
editing this copy changes nothing except your own understanding.
"""

import jax, jax.numpy as jnp
import numpy as np

SIZES = np.tile(np.array([16, 32, 64, 128], dtype=np.int32), 50)
UNIQUE_SIZES = [16, 32, 64, 128]
COUNTS = [50, 50, 50, 50]
STARTS = [0, 50, 100, 150]
EMB_DIM = 128
HID = 512
B, L = 1024, 50


def setup_inputs(seed: int = 0):
    key = jax.random.key(seed)
    ks = jax.random.split(key, 16)
    order = np.argsort(SIZES, kind='stable')
    inverse_indices = np.argsort(order, kind='stable')
    inp = {}
    inp['input'] = jax.random.randint(ks[0], (B, L), 0, int(SIZES.shape[0]))
    inp['inverse_indices'] = jnp.asarray(inverse_indices)
    kidx = 1
    for i, (c, s) in enumerate(zip(COUNTS, UNIQUE_SIZES)):
        tab = jax.random.normal(ks[kidx], (c, s), dtype=jnp.float32) * 0.02
        tab = tab.at[0].set(0.0)
        inp['emb%d' % i] = tab
        inp['W1_%d' % i] = jax.random.normal(ks[kidx + 1], (s, HID), dtype=jnp.float32) * (1.0 / np.sqrt(s))
        inp['b1_%d' % i] = jnp.zeros((HID,), dtype=jnp.float32)
        inp['W2_%d' % i] = jax.random.normal(ks[kidx + 2], (HID, EMB_DIM), dtype=jnp.float32) * (1.0 / np.sqrt(HID))
        inp['b2_%d' % i] = jnp.zeros((EMB_DIM,), dtype=jnp.float32)
        kidx += 3
    return inp


def _forward(inp_idx, inverse_indices, tables, W1s, b1s, W2s, b2s):
    x = jnp.where(inp_idx == inverse_indices.shape[0], 0, inp_idx)
    idx = jnp.take(inverse_indices, x, axis=0)
    outputs = jnp.zeros((x.shape[0], x.shape[1], EMB_DIM), dtype=jnp.float32)
    for i in range(len(tables)):
        start = STARTS[i]
        end = start + COUNTS[i]
        mask = jnp.logical_and(idx >= start, idx < end)
        rel = jnp.clip(idx - start, 0, COUNTS[i] - 1)
        e = jnp.take(tables[i], rel, axis=0)
        h = jax.nn.relu(jnp.einsum('bls,sh->blh', e, W1s[i]) + b1s[i])
        o = jnp.einsum('blh,hd->bld', h, W2s[i]) + b2s[i]
        outputs = jnp.where(mask[:, :, None], o, outputs)
    return outputs


def reference(input, inverse_indices, emb0, W1_0, b1_0, W2_0, b2_0, emb1, W1_1, b1_1, W2_1, b2_1, emb2, W1_2, b1_2, W2_2, b2_2, emb3, W1_3, b1_3, W2_3, b2_3):
    tables = [emb0, emb1, emb2, emb3]
    W1s = [W1_0, W1_1, W1_2, W1_3]
    b1s = [b1_0, b1_1, b1_2, b1_3]
    W2s = [W2_0, W2_1, W2_2, W2_3]
    b2s = [b2_0, b2_1, b2_2, b2_3]
    return _forward(input, inverse_indices, tables, W1s, b1s, W2s, b2s)

if __name__ == "__main__":
    import jax
    _d = setup_inputs()
    print(jax.jit(kernel)(*tuple(_d.values())))

</pallas_src>

<mosaic_0001>
#map = affine_map<(d0, d1) -> (0, 0)>
#map1 = affine_map<(d0, d1) -> (0, 0, 0)>
module attributes {stable_mosaic.version = 14 : i64} {
  func.func @gather(%arg0: i32, %arg1: i32, %arg2: memref<200x128xf32, #tpu.memory_space<hbm>>, %arg3: memref<50x1024xi32, #tpu.memory_space<hbm>>, %arg4: memref<50x1024x128xf32, #tpu.memory_space<hbm>>, %arg5: memref<256xi32, #tpu.memory_space<vmem>>, %arg6: memref<256xi32, #tpu.memory_space<vmem>>, %arg7: memref<256x128xf32, #tpu.memory_space<vmem>>, %arg8: memref<256x128xf32, #tpu.memory_space<vmem>>, %arg9: memref<200x128xf32, #tpu.memory_space<vmem_shared>>, %arg10: memref<!tpu.dma_semaphore, #tpu.memory_space<semaphore_mem>>, %arg11: memref<!tpu.dma_semaphore, #tpu.memory_space<semaphore_mem>>, %arg12: memref<!tpu.dma_semaphore, #tpu.memory_space<semaphore_mem>>, %arg13: memref<!tpu.dma_semaphore, #tpu.memory_space<semaphore_mem>>) attributes {dimension_semantics = [#tpu.dimension_semantics<core_parallel>, #tpu.dimension_semantics<subcore_parallel>], iteration_bounds = array<i64: 2, 16>, scalar_prefetch = 0 : i64, scratch_operands = 9 : i64, tpu.core_type = #tpu.core_type<sc_vector_subcore>, window_params = [{transform_indices = #map}, {transform_indices = #map}, {transform_indices = #map1}]} {
    %mul3A = arith.constant 2 : i32
    %mul3A_0 = arith.muli %arg1, %mul3A : i32
    %add3A = arith.addi %mul3A_0, %arg0 : i32
    %sub3A = arith.constant 200 : i32
    %sub3A_1 = arith.subi %sub3A, %add3A : i32
    %add3A_2 = arith.constant 32 : i32
    %add3A_3 = arith.addi %sub3A_1, %add3A_2 : i32
    %sub3A_4 = arith.constant 1 : i32
    %sub3A_5 = arith.subi %add3A_3, %sub3A_4 : i32
    %jit3A = arith.constant 32 : i32
    %div3A = arith.divsi %sub3A_5, %jit3A : i32
    %sign3A = arith.constant 0 : i32
    %sign3A_6 = arith.cmpi sgt, %sub3A_5, %sign3A : i32
    %sign3A_7 = arith.extui %sign3A_6 : i1 to i32
    %sign3A_8 = arith.constant 0 : i32
    %sign3A_9 = arith.cmpi slt, %sub3A_5, %sign3A_8 : i32
    %sign3A_10 = arith.extui %sign3A_9 : i1 to i32
    %sign3A_11 = arith.subi %sign3A_7, %sign3A_10 : i32
    %sign3A_12 = arith.constant 0 : i32
    %sign3A_13 = arith.cmpi sgt, %jit3A, %sign3A_12 : i32
    %sign3A_14 = arith.extui %sign3A_13 : i1 to i32
    %sign3A_15 = arith.constant 0 : i32
    %sign3A_16 = arith.cmpi slt, %jit3A, %sign3A_15 : i32
    %sign3A_17 = arith.extui %sign3A_16 : i1 to i32
    %sign3A_18 = arith.subi %sign3A_14, %sign3A_17 : i32
    %ne3A = arith.cmpi ne, %sign3A_11, %sign3A_18 : i32
    %rem3A = arith.remsi %sub3A_5, %jit3A : i32
    %ne3A_19 = arith.constant 0 : i32
    %ne3A_20 = arith.cmpi ne, %rem3A, %ne3A_19 : i32
    %and3A = arith.andi %ne3A, %ne3A_20 : i1
    %sub3A_21 = arith.constant 1 : i32
    %sub3A_22 = arith.subi %div3A, %sub3A_21 : i32
    %select_n3A = arith.select %and3A, %sub3A_22, %div3A : i32
    %add3A_23 = arith.constant 0 : i32
    %add3A_24 = arith.addi %add3A, %add3A_23 : i32
    %jit3A_25 = arith.constant 4 : i32
    %div3A_26 = arith.divsi %add3A_24, %jit3A_25 : i32
    %sign3A_27 = arith.constant 0 : i32
    %sign3A_28 = arith.cmpi sgt, %add3A_24, %sign3A_27 : i32
    %sign3A_29 = arith.extui %sign3A_28 : i1 to i32
    %sign3A_30 = arith.constant 0 : i32
    %sign3A_31 = arith.cmpi slt, %add3A_24, %sign3A_30 : i32
    %sign3A_32 = arith.extui %sign3A_31 : i1 to i32
    %sign3A_33 = arith.subi %sign3A_29, %sign3A_32 : i32
    %sign3A_34 = arith.constant 0 : i32
    %sign3A_35 = arith.cmpi sgt, %jit3A_25, %sign3A_34 : i32
    %sign3A_36 = arith.extui %sign3A_35 : i1 to i32
    %sign3A_37 = arith.constant 0 : i32
    %sign3A_38 = arith.cmpi slt, %jit3A_25, %sign3A_37 : i32
    %sign3A_39 = arith.extui %sign3A_38 : i1 to i32
    %sign3A_40 = arith.subi %sign3A_36, %sign3A_39 : i32
    %ne3A_41 = arith.cmpi ne, %sign3A_33, %sign3A_40 : i32
    %rem3A_42 = arith.remsi %add3A_24, %jit3A_25 : i32
    %ne3A_43 = arith.constant 0 : i32
    %ne3A_44 = arith.cmpi ne, %rem3A_42, %ne3A_43 : i32
    %and3A_45 = arith.andi %ne3A_41, %ne3A_44 : i1
    %sub3A_46 = arith.constant 1 : i32
    %sub3A_47 = arith.subi %div3A_26, %sub3A_46 : i32
    %select_n3A_48 = arith.select %and3A_45, %sub3A_47, %div3A_26 : i32
    %jit3A_49 = arith.constant 4 : i32
    %eq3A = arith.constant 0 : i32
    %eq3A_50 = arith.cmpi eq, %jit3A_49, %eq3A : i32
    %jit3A_51 = arith.constant 1 : i32
    %select_n3A_52 = arith.select %eq3A_50, %jit3A_51, %jit3A_49 : i32
    %rem3A_53 = arith.remsi %add3A_24, %select_n3A_52 : i32
    %ne3A_54 = arith.constant 0 : i32
    %ne3A_55 = arith.cmpi ne, %rem3A_53, %ne3A_54 : i32
    %lt3A = arith.constant 0 : i32
    %lt3A_56 = arith.cmpi slt, %rem3A_53, %lt3A : i32
    %lt3A_57 = arith.constant 0 : i32
    %lt3A_58 = arith.cmpi slt, %select_n3A_52, %lt3A_57 : i32
    %ne3A_59 = arith.xori %lt3A_56, %lt3A_58 : i1
    %and3A_60 = arith.andi %ne3A_59, %ne3A_55 : i1
    %add3A_61 = arith.addi %rem3A_53, %select_n3A_52 : i32
    %select_n3A_62 = arith.select %and3A_60, %add3A_61, %rem3A_53 : i32
    %mul3A_63 = arith.constant 256 : i32
    %mul3A_64 = arith.muli %select_n3A_62, %mul3A_63 : i32
    %dma_start3A = tpu.memref_slice %arg3[%select_n3A_48, %mul3A_64] : memref<50x1024xi32, #tpu.memory_space<hbm>> -> memref<1x256xi32, #tpu.memory_space<hbm>>
    %dma_start3A_65 = tpu.memref_squeeze %dma_start3A : memref<1x256xi32, #tpu.memory_space<hbm>> -> memref<256xi32, #tpu.memory_space<hbm>>
    %dma_start3A_66 = tpu.memref_slice %arg3[%select_n3A_48, %mul3A_64] : memref<50x1024xi32, #tpu.memory_space<hbm>> -> memref<1x256xi32, #tpu.memory_space<hbm>>
    %dma_start3A_67 = tpu.memref_squeeze %dma_start3A_66 : memref<1x256xi32, #tpu.memory_space<hbm>> -> memref<256xi32, #tpu.memory_space<hbm>>
    tpu.enqueue_dma source(%dma_start3A_67 : memref<256xi32, #tpu.memory_space<hbm>>) target(%arg5 : memref<256xi32, #tpu.memory_space<vmem>>) target_semaphore(%arg13 : memref<!tpu.dma_semaphore, #tpu.memory_space<semaphore_mem>>)
    %eq3A_68 = arith.constant 0 : i32
    %eq3A_69 = arith.cmpi eq, %arg1, %eq3A_68 : i32
    %convert_element_type3A = arith.extui %eq3A_69 : i1 to i32
    %cond3A = arith.constant 0 : i32
    %cond3A_70 = arith.cmpi ne, %convert_element_type3A, %cond3A : i32
    scf.if %cond3A_70 {
      "tpu.region"() ({
        %run_scoped3A = tpu.sem_alloc : memref<!tpu.dma_semaphore, #tpu.memory_space<semaphore_mem>>
        tpu.enqueue_dma source(%arg2 : memref<200x128xf32, #tpu.memory_space<hbm>>) target(%arg9 : memref<200x128xf32, #tpu.memory_space<vmem_shared>>) target_semaphore(%run_scoped3A : memref<!tpu.dma_semaphore, #tpu.memory_space<semaphore_mem>>)
        tpu.wait_dma2 semaphore(%run_scoped3A : memref<!tpu.dma_semaphore, #tpu.memory_space<semaphore_mem>>) src(%arg2 : memref<200x128xf32, #tpu.memory_space<hbm>>) dst(%arg9 : memref<200x128xf32, #tpu.memory_space<vmem_shared>>)
        tpu.yield
      }) : () -> ()
    } else {
    }
    %barrier3A = arith.constant 0 : index
    tpu.barrier barrier_id(%barrier3A)
    %while3A = arith.constant 0 : i32
    %while3A_71 = arith.constant 0 : i32
    %while3A_72 = arith.subi %select_n3A, %while3A_71 : i32
    %while3A_73 = arith.addi %while3A_71, %while3A_72 : i32
    %while3A_74 = arith.constant 1 : i32
    %while3A_75 = arith.divsi %while3A_72, %while3A_74 : i32
    %while3A_76 = arith.muli %while3A_75, %while3A_74 : i32
    %while3A_77 = arith.addi %while3A_71, %while3A_76 : i32
    %while3A_78 = arith.constant 1 : i32
    scf.for %while3A_202 = %while3A_71 to %while3A_77 step %while3A_78  : i32 {
      %and3A_203 = arith.constant 1 : i32
      %and3A_204 = arith.andi %while3A_202, %and3A_203 : i32
      %eq3A_205 = arith.constant 0 : i32
      %eq3A_206 = arith.cmpi eq, %and3A_204, %eq3A_205 : i32
      %convert_element_type3A_207 = arith.extui %eq3A_206 : i1 to i32
      %cond3A_208 = arith.constant 0 : i32
      %cond3A_209 = arith.cmpi ne, %convert_element_type3A_207, %cond3A_208 : i32
      scf.if %cond3A_209 {
        %mul3A_217 = arith.constant 32 : i32
        %mul3A_218 = arith.muli %while3A_202, %mul3A_217 : i32
        %add3A_219 = arith.addi %add3A, %mul3A_218 : i32
        %jit3A_220 = arith.constant 4 : i32
        %div3A_221 = arith.divsi %add3A_219, %jit3A_220 : i32
        %sign3A_222 = arith.constant 0 : i32
        %sign3A_223 = arith.cmpi sgt, %add3A_219, %sign3A_222 : i32
        %sign3A_224 = arith.extui %sign3A_223 : i1 to i32
        %sign3A_225 = arith.constant 0 : i32
        %sign3A_226 = arith.cmpi slt, %add3A_219, %sign3A_225 : i32
        %sign3A_227 = arith.extui %sign3A_226 : i1 to i32
        %sign3A_228 = arith.subi %sign3A_224, %sign3A_227 : i32
        %sign3A_229 = arith.constant 0 : i32
        %sign3A_230 = arith.cmpi sgt, %jit3A_220, %sign3A_229 : i32
        %sign3A_231 = arith.extui %sign3A_230 : i1 to i32
        %sign3A_232 = arith.constant 0 : i32
        %sign3A_233 = arith.cmpi slt, %jit3A_220, %sign3A_232 : i32
        %sign3A_234 = arith.extui %sign3A_233 : i1 to i32
        %sign3A_235 = arith.subi %sign3A_231, %sign3A_234 : i32
        %ne3A_236 = arith.cmpi ne, %sign3A_228, %sign3A_235 : i32
        %rem3A_237 = arith.remsi %add3A_219, %jit3A_220 : i32
        %ne3A_238 = arith.constant 0 : i32
        %ne3A_239 = arith.cmpi ne, %rem3A_237, %ne3A_238 : i32
        %and3A_240 = arith.andi %ne3A_236, %ne3A_239 : i1
        %sub3A_241 = arith.constant 1 : i32
        %sub3A_242 = arith.subi %div3A_221, %sub3A_241 : i32
        %select_n3A_243 = arith.select %and3A_240, %sub3A_242, %div3A_221 : i32
        %jit3A_244 = arith.constant 4 : i32
        %eq3A_245 = arith.constant 0 : i32
        %eq3A_246 = arith.cmpi eq, %jit3A_244, %eq3A_245 : i32
        %jit3A_247 = arith.constant 1 : i32
        %select_n3A_248 = arith.select %eq3A_246, %jit3A_247, %jit3A_244 : i32
        %rem3A_249 = arith.remsi %add3A_219, %select_n3A_248 : i32
        %ne3A_250 = arith.constant 0 : i32
        %ne3A_251 = arith.cmpi ne, %rem3A_249, %ne3A_250 : i32
        %lt3A_252 = arith.constant 0 : i32
        %lt3A_253 = arith.cmpi slt, %rem3A_249, %lt3A_252 : i32
        %lt3A_254 = arith.constant 0 : i32
        %lt3A_255 = arith.cmpi slt, %select_n3A_248, %lt3A_254 : i32
        %ne3A_256 = arith.xori %lt3A_253, %lt3A_255 : i1
        %and3A_257 = arith.andi %ne3A_256, %ne3A_251 : i1
        %add3A_258 = arith.addi %rem3A_249, %select_n3A_248 : i32
        %select_n3A_259 = arith.select %and3A_257, %add3A_258, %rem3A_249 : i32
        %mul3A_260 = arith.constant 256 : i32
        %mul3A_261 = arith.muli %select_n3A_259, %mul3A_260 : i32
        %mul3A_262 = arith.constant 32 : i32
        %mul3A_263 = arith.muli %while3A_202, %mul3A_262 : i32
        %add3A_264 = arith.addi %add3A, %mul3A_263 : i32
        %jit3A_265 = arith.constant 4 : i32
        %div3A_266 = arith.divsi %add3A_264, %jit3A_265 : i32
        %sign3A_267 = arith.constant 0 : i32
        %sign3A_268 = arith.cmpi sgt, %add3A_264, %sign3A_267 : i32
        %sign3A_269 = arith.extui %sign3A_268 : i1 to i32
        %sign3A_270 = arith.constant 0 : i32
        %sign3A_271 = arith.cmpi slt, %add3A_264, %sign3A_270 : i32
        %sign3A_272 = arith.extui %sign3A_271 : i1 to i32
        %sign3A_273 = arith.subi %sign3A_269, %sign3A_272 : i32
        %sign3A_274 = arith.constant 0 : i32
        %sign3A_275 = arith.cmpi sgt, %jit3A_265, %sign3A_274 : i32
        %sign3A_276 = arith.extui %sign3A_275 : i1 to i32
        %sign3A_277 = arith.constant 0 : i32
        %sign3A_278 = arith.cmpi slt, %jit3A_265, %sign3A_277 : i32
        %sign3A_279 = arith.extui %sign3A_278 : i1 to i32
        %sign3A_280 = arith.subi %sign3A_276, %sign3A_279 : i32
        %ne3A_281 = arith.cmpi ne, %sign3A_273, %sign3A_280 : i32
        %rem3A_282 = arith.remsi %add3A_264, %jit3A_265 : i32
        %ne3A_283 = arith.constant 0 : i32
        %ne3A_284 = arith.cmpi ne, %rem3A_282, %ne3A_283 : i32
        %and3A_285 = arith.andi %ne3A_281, %ne3A_284 : i1
        %sub3A_286 = arith.constant 1 : i32
        %sub3A_287 = arith.subi %div3A_266, %sub3A_286 : i32
        %select_n3A_288 = arith.select %and3A_285, %sub3A_287, %div3A_266 : i32
        %jit3A_289 = arith.constant 4 : i32
        %eq3A_290 = arith.constant 0 : i32
        %eq3A_291 = arith.cmpi eq, %jit3A_289, %eq3A_290 : i32
        %jit3A_292 = arith.constant 1 : i32
        %select_n3A_293 = arith.select %eq3A_291, %jit3A_292, %jit3A_289 : i32
        %rem3A_294 = arith.remsi %add3A_264, %select_n3A_293 : i32
        %ne3A_295 = arith.constant 0 : i32
        %ne3A_296 = arith.cmpi ne, %rem3A_294, %ne3A_295 : i32
        %lt3A_297 = arith.constant 0 : i32
        %lt3A_298 = arith.cmpi slt, %rem3A_294, %lt3A_297 : i32
        %lt3A_299 = arith.constant 0 : i32
        %lt3A_300 = arith.cmpi slt, %select_n3A_293, %lt3A_299 : i32
        %ne3A_301 = arith.xori %lt3A_298, %lt3A_300 : i1
        %and3A_302 = arith.andi %ne3A_301, %ne3A_296 : i1
        %add3A_303 = arith.addi %rem3A_294, %select_n3A_293 : i32
        %select_n3A_304 = arith.select %and3A_302, %add3A_303, %rem3A_294 : i32
        %mul3A_305 = arith.constant 256 : i32
        %mul3A_306 = arith.muli %select_n3A_304, %mul3A_305 : i32
        %dma_wait3A = tpu.memref_slice %arg3[%select_n3A_288, %mul3A_306] : memref<50x1024xi32, #tpu.memory_space<hbm>> -> memref<1x256xi32, #tpu.memory_space<hbm>>
        %dma_wait3A_307 = tpu.memref_squeeze %dma_wait3A : memref<1x256xi32, #tpu.memory_space<hbm>> -> memref<256xi32, #tpu.memory_space<hbm>>
        %dma_wait3A_308 = tpu.memref_slice %arg3[%select_n3A_288, %mul3A_306] : memref<50x1024xi32, #tpu.memory_space<hbm>> -> memref<1x256xi32, #tpu.memory_space<hbm>>
        %dma_wait3A_309 = tpu.memref_squeeze %dma_wait3A_308 : memref<1x256xi32, #tpu.memory_space<hbm>> -> memref<256xi32, #tpu.memory_space<hbm>>
        tpu.wait_dma2 semaphore(%arg13 : memref<!tpu.dma_semaphore, #tpu.memory_space<semaphore_mem>>) src(%dma_wait3A_309 : memref<256xi32, #tpu.memory_space<hbm>>) dst(%arg5 : memref<256xi32, #tpu.memory_space<vmem>>)
        %ge3A = arith.constant 2 : i32
        %ge3A_310 = arith.cmpi sge, %while3A_202, %ge3A : i32
        %convert_element_type3A_311 = arith.extui %ge3A_310 : i1 to i32
        %cond3A_312 = arith.constant 0 : i32
        %cond3A_313 = arith.cmpi ne, %convert_element_type3A_311, %cond3A_312 : i32
        scf.if %cond3A_313 {
          %sub3A_358 = arith.constant 64 : i32
          %sub3A_359 = arith.subi %add3A_219, %sub3A_358 : i32
          %jit3A_360 = arith.constant 4 : i32
          %div3A_361 = arith.divsi %sub3A_359, %jit3A_360 : i32
          %sign3A_362 = arith.constant 0 : i32
          %sign3A_363 = arith.cmpi sgt, %sub3A_359, %sign3A_362 : i32
          %sign3A_364 = arith.extui %sign3A_363 : i1 to i32
          %sign3A_365 = arith.constant 0 : i32
          %sign3A_366 = arith.cmpi slt, %sub3A_359, %sign3A_365 : i32
          %sign3A_367 = arith.extui %sign3A_366 : i1 to i32
          %sign3A_368 = arith.subi %sign3A_364, %sign3A_367 : i32
          %sign3A_369 = arith.constant 0 : i32
          %sign3A_370 = arith.cmpi sgt, %jit3A_360, %sign3A_369 : i32
          %sign3A_371 = arith.extui %sign3A_370 : i1 to i32
          %sign3A_372 = arith.constant 0 : i32
          %sign3A_373 = arith.cmpi slt, %jit3A_360, %sign3A_372 : i32
          %sign3A_374 = arith.extui %sign3A_373 : i1 to i32
          %sign3A_375 = arith.subi %sign3A_371, %sign3A_374 : i32
          %ne3A_376 = arith.cmpi ne, %sign3A_368, %sign3A_375 : i32
          %rem3A_377 = arith.remsi %sub3A_359, %jit3A_360 : i32
          %ne3A_378 = arith.constant 0 : i32
          %ne3A_379 = arith.cmpi ne, %rem3A_377, %ne3A_378 : i32
          %and3A_380 = arith.andi %ne3A_376, %ne3A_379 : i1
          %sub3A_381 = arith.constant 1 : i32
          %sub3A_382 = arith.subi %div3A_361, %sub3A_381 : i32
          %select_n3A_383 = arith.select %and3A_380, %sub3A_382, %div3A_361 : i32
          %jit3A_384 = arith.constant 4 : i32
          %eq3A_385 = arith.constant 0 : i32
          %eq3A_386 = arith.cmpi eq, %jit3A_384, %eq3A_385 : i32
          %jit3A_387 = arith.constant 1 : i32
          %select_n3A_388 = arith.select %eq3A_386, %jit3A_387, %jit3A_384 : i32
          %rem3A_389 = arith.remsi %sub3A_359, %select_n3A_388 : i32
          %ne3A_390 = arith.constant 0 : i32
          %ne3A_391 = arith.cmpi ne, %rem3A_389, %ne3A_390 : i32
          %lt3A_392 = arith.constant 0 : i32
          %lt3A_393 = arith.cmpi slt, %rem3A_389, %lt3A_392 : i32
          %lt3A_394 = arith.constant 0 : i32
          %lt3A_395 = arith.cmpi slt, %select_n3A_388, %lt3A_394 : i32
          %ne3A_396 = arith.xori %lt3A_393, %lt3A_395 : i1
          %and3A_397 = arith.andi %ne3A_396, %ne3A_391 : i1
          %add3A_398 = arith.addi %rem3A_389, %select_n3A_388 : i32
          %select_n3A_399 = arith.select %and3A_397, %add3A_398, %rem3A_389 : i32
          %mul3A_400 = arith.constant 256 : i32
          %mul3A_401 = arith.muli %select_n3A_399, %mul3A_400 : i32
          %dma_wait3A_402 = arith.constant 0 : i32
          %dma_wait3A_403 = tpu.memref_slice %arg4[%select_n3A_383, %mul3A_401, %dma_wait3A_402] : memref<50x1024x128xf32, #tpu.memory_space<hbm>> -> memref<1x256x128xf32, #tpu.memory_space<hbm>>
          %dma_wait3A_404 = tpu.memref_squeeze %dma_wait3A_403 : memref<1x256x128xf32, #tpu.memory_space<hbm>> -> memref<256x128xf32, #tpu.memory_space<hbm>>
          %dma_wait3A_405 = arith.constant 0 : i32
          %dma_wait3A_406 = tpu.memref_slice %arg4[%select_n3A_383, %mul3A_401, %dma_wait3A_405] : memref<50x1024x128xf32, #tpu.memory_space<hbm>> -> memref<1x256x128xf32, #tpu.memory_space<hbm>>
          %dma_wait3A_407 = tpu.memref_squeeze %dma_wait3A_406 : memref<1x256x128xf32, #tpu.memory_space<hbm>> -> memref<256x128xf32, #tpu.memory_space<hbm>>
          tpu.wait_dma2 semaphore(%arg11 : memref<!tpu.dma_semaphore, #tpu.memory_space<semaphore_mem>>) src(%arg7 : memref<256x128xf32, #tpu.memory_space<vmem>>) dst(%dma_wait3A_407 : memref<256x128xf32, #tpu.memory_space<hbm>>)
        } else {
        }
        %dma_start3A_314 = arith.constant 0 : i32
        %dma_start3A_315 = arith.constant 0 : i32
        %dma_start3A_316 = tpu.memref_slice %arg7[%dma_start3A_314, %dma_start3A_315] : memref<256x128xf32, #tpu.memory_space<vmem>> -> memref<128x128xf32, #tpu.memory_space<vmem>>
        %dma_start3A_317 = arith.constant 0 : i32
        %dma_start3A_318 = tpu.memref_slice %arg5[%dma_start3A_317] : memref<256xi32, #tpu.memory_space<vmem>> -> memref<128xi32, #tpu.memory_space<vmem>>
        %dma_start3A_319 = arith.constant 0 : i32
        %dma_start3A_320 = arith.constant 0 : i32
        %dma_start3A_321 = tpu.memref_slice %arg9[%dma_start3A_319, %dma_start3A_320] : memref<200x128xf32, #tpu.memory_space<vmem_shared>> -> memref<200x128xf32, #tpu.memory_space<vmem_shared>>
        tpu.enqueue_indirect_dma source(%dma_start3A_321 : memref<200x128xf32, #tpu.memory_space<vmem_shared>>) target(%dma_start3A_316 : memref<128x128xf32, #tpu.memory_space<vmem>>) offsets(%dma_start3A_318 : memref<128xi32, #tpu.memory_space<vmem>>) semaphore(%arg10 : memref<!tpu.dma_semaphore, #tpu.memory_space<semaphore_mem>>)
        %dma_start3A_322 = arith.constant 128 : i32
        %dma_start3A_323 = arith.constant 0 : i32
        %dma_start3A_324 = tpu.memref_slice %arg7[%dma_start3A_322, %dma_start3A_323] : memref<256x128xf32, #tpu.memory_space<vmem>> -> memref<128x128xf32, #tpu.memory_space<vmem>>
        %dma_start3A_325 = arith.constant 128 : i32
        %dma_start3A_326 = tpu.memref_slice %arg5[%dma_start3A_325] : memref<256xi32, #tpu.memory_space<vmem>> -> memref<128xi32, #tpu.memory_space<vmem>>
        %dma_start3A_327 = arith.constant 0 : i32
        %dma_start3A_328 = arith.constant 0 : i32
        %dma_start3A_329 = tpu.memref_slice %arg9[%dma_start3A_327, %dma_start3A_328] : memref<200x128xf32, #tpu.memory_space<vmem_shared>> -> memref<200x128xf32, #tpu.memory_space<vmem_shared>>
        tpu.enqueue_indirect_dma source(%dma_start3A_329 : memref<200x128xf32, #tpu.memory_space<vmem_shared>>) target(%dma_start3A_324 : memref<128x128xf32, #tpu.memory_space<vmem>>) offsets(%dma_start3A_326 : memref<128xi32, #tpu.memory_space<vmem>>) semaphore(%arg10 : memref<!tpu.dma_semaphore, #tpu.memory_space<semaphore_mem>>)
        %add3A_330 = arith.constant 1 : i32
        %add3A_331 = arith.addi %while3A_202, %add3A_330 : i32
        %lt3A_332 = arith.cmpi slt, %add3A_331, %select_n3A : i32
        %convert_element_type3A_333 = arith.extui %lt3A_332 : i1 to i32
        %cond3A_334 = arith.constant 0 : i32
        %cond3A_335 = arith.cmpi ne, %convert_element_type3A_333, %cond3A_334 : i32
        scf.if %cond3A_335 {
          %add3A_358 = arith.constant 1 : i32
          %add3A_359 = arith.addi %while3A_202, %add3A_358 : i32
          %mul3A_360 = arith.constant 32 : i32
          %mul3A_361 = arith.muli %add3A_359, %mul3A_360 : i32
          %add3A_362 = arith.addi %add3A, %mul3A_361 : i32
          %jit3A_363 = arith.constant 4 : i32
          %div3A_364 = arith.divsi %add3A_362, %jit3A_363 : i32
          %sign3A_365 = arith.constant 0 : i32
          %sign3A_366 = arith.cmpi sgt, %add3A_362, %sign3A_365 : i32
          %sign3A_367 = arith.extui %sign3A_366 : i1 to i32
          %sign3A_368 = arith.constant 0 : i32
          %sign3A_369 = arith.cmpi slt, %add3A_362, %sign3A_368 : i32
          %sign3A_370 = arith.extui %sign3A_369 : i1 to i32
          %sign3A_371 = arith.subi %sign3A_367, %sign3A_370 : i32
          %sign3A_372 = arith.constant 0 : i32
          %sign3A_373 = arith.cmpi sgt, %jit3A_363, %sign3A_372 : i32
          %sign3A_374 = arith.extui %sign3A_373 : i1 to i32
          %sign3A_375 = arith.constant 0 : i32
          %sign3A_376 = arith.cmpi slt, %jit3A_363, %sign3A_375 : i32
          %sign3A_377 = arith.extui %sign3A_376 : i1 to i32
          %sign3A_378 = arith.subi %sign3A_374, %sign3A_377 : i32
          %ne3A_379 = arith.cmpi ne, %sign3A_371, %sign3A_378 : i32
          %rem3A_380 = arith.remsi %add3A_362, %jit3A_363 : i32
          %ne3A_381 = arith.constant 0 : i32
          %ne3A_382 = arith.cmpi ne, %rem3A_380, %ne3A_381 : i32
          %and3A_383 = arith.andi %ne3A_379, %ne3A_382 : i1
          %sub3A_384 = arith.constant 1 : i32
          %sub3A_385 = arith.subi %div3A_364, %sub3A_384 : i32
          %select_n3A_386 = arith.select %and3A_383, %sub3A_385, %div3A_364 : i32
          %jit3A_387 = arith.constant 4 : i32
          %eq3A_388 = arith.constant 0 : i32
          %eq3A_389 = arith.cmpi eq, %jit3A_387, %eq3A_388 : i32
          %jit3A_390 = arith.constant 1 : i32
          %select_n3A_391 = arith.select %eq3A_389, %jit3A_390, %jit3A_387 : i32
          %rem3A_392 = arith.remsi %add3A_362, %select_n3A_391 : i32
          %ne3A_393 = arith.constant 0 : i32
          %ne3A_394 = arith.cmpi ne, %rem3A_392, %ne3A_393 : i32
          %lt3A_395 = arith.constant 0 : i32
          %lt3A_396 = arith.cmpi slt, %rem3A_392, %lt3A_395 : i32
          %lt3A_397 = arith.constant 0 : i32
          %lt3A_398 = arith.cmpi slt, %select_n3A_391, %lt3A_397 : i32
          %ne3A_399 = arith.xori %lt3A_396, %lt3A_398 : i1
          %and3A_400 = arith.andi %ne3A_399, %ne3A_394 : i1
          %add3A_401 = arith.addi %rem3A_392, %select_n3A_391 : i32
          %select_n3A_402 = arith.select %and3A_400, %add3A_401, %rem3A_392 : i32
          %mul3A_403 = arith.constant 256 : i32
          %mul3A_404 = arith.muli %select_n3A_402, %mul3A_403 : i32
          %dma_start3A_405 = tpu.memref_slice %arg3[%select_n3A_386, %mul3A_404] : memref<50x1024xi32, #tpu.memory_space<hbm>> -> memref<1x256xi32, #tpu.memory_space<hbm>>
          %dma_start3A_406 = tpu.memref_squeeze %dma_start3A_405 : memref<1x256xi32, #tpu.memory_space<hbm>> -> memref<256xi32, #tpu.memory_space<hbm>>
          %dma_start3A_407 = tpu.memref_slice %arg3[%select_n3A_386, %mul3A_404] : memref<50x1024xi32, #tpu.memory_space<hbm>> -> memref<1x256xi32, #tpu.memory_space<hbm>>
          %dma_start3A_408 = tpu.memref_squeeze %dma_start3A_407 : memref<1x256xi32, #tpu.memory_space<hbm>> -> memref<256xi32, #tpu.memory_space<hbm>>
          tpu.enqueue_dma source(%dma_start3A_408 : memref<256xi32, #tpu.memory_space<hbm>>) target(%arg6 : memref<256xi32, #tpu.memory_space<vmem>>) target_semaphore(%arg13 : memref<!tpu.dma_semaphore, #tpu.memory_space<semaphore_mem>>)
        } else {
        }
        %dma_wait3A_336 = arith.constant 0 : i32
        %dma_wait3A_337 = arith.constant 0 : i32
        %dma_wait3A_338 = tpu.memref_slice %arg7[%dma_wait3A_336, %dma_wait3A_337] : memref<256x128xf32, #tpu.memory_space<vmem>> -> memref<128x128xf32, #tpu.memory_space<vmem>>
        %dma_wait3A_339 = arith.constant 0 : i32
        %dma_wait3A_340 = tpu.memref_slice %arg5[%dma_wait3A_339] : memref<256xi32, #tpu.memory_space<vmem>> -> memref<128xi32, #tpu.memory_space<vmem>>
        %dma_wait3A_341 = arith.constant 0 : i32
        %dma_wait3A_342 = arith.constant 0 : i32
        %dma_wait3A_343 = tpu.memref_slice %arg9[%dma_wait3A_341, %dma_wait3A_342] : memref<200x128xf32, #tpu.memory_space<vmem_shared>> -> memref<200x128xf32, #tpu.memory_space<vmem_shared>>
        tpu.wait_indirect_dma semaphore(%arg10 : memref<!tpu.dma_semaphore, #tpu.memory_space<semaphore_mem>>) src(%dma_wait3A_343 : memref<200x128xf32, #tpu.memory_space<vmem_shared>>) dst(%dma_wait3A_338 : memref<128x128xf32, #tpu.memory_space<vmem>>)
        %dma_wait3A_344 = arith.constant 128 : i32
        %dma_wait3A_345 = arith.constant 0 : i32
        %dma_wait3A_346 = tpu.memref_slice %arg7[%dma_wait3A_344, %dma_wait3A_345] : memref<256x128xf32, #tpu.memory_space<vmem>> -> memref<128x128xf32, #tpu.memory_space<vmem>>
        %dma_wait3A_347 = arith.constant 128 : i32
        %dma_wait3A_348 = tpu.memref_slice %arg5[%dma_wait3A_347] : memref<256xi32, #tpu.memory_space<vmem>> -> memref<128xi32, #tpu.memory_space<vmem>>
        %dma_wait3A_349 = arith.constant 0 : i32
        %dma_wait3A_350 = arith.constant 0 : i32
        %dma_wait3A_351 = tpu.memref_slice %arg9[%dma_wait3A_349, %dma_wait3A_350] : memref<200x128xf32, #tpu.memory_space<vmem_shared>> -> memref<200x128xf32, #tpu.memory_space<vmem_shared>>
        tpu.wait_indirect_dma semaphore(%arg10 : memref<!tpu.dma_semaphore, #tpu.memory_space<semaphore_mem>>) src(%dma_wait3A_351 : memref<200x128xf32, #tpu.memory_space<vmem_shared>>) dst(%dma_wait3A_346 : memref<128x128xf32, #tpu.memory_space<vmem>>)
        %dma_start3A_352 = arith.constant 0 : i32
        %dma_start3A_353 = tpu.memref_slice %arg4[%select_n3A_243, %mul3A_261, %dma_start3A_352] : memref<50x1024x128xf32, #tpu.memory_space<hbm>> -> memref<1x256x128xf32, #tpu.memory_space<hbm>>
        %dma_start3A_354 = tpu.memref_squeeze %dma_start3A_353 : memref<1x256x128xf32, #tpu.memory_space<hbm>> -> memref<256x128xf32, #tpu.memory_space<hbm>>
        %dma_start3A_355 = arith.constant 0 : i32
        %dma_start3A_356 = tpu.memref_slice %arg4[%select_n3A_243, %mul3A_261, %dma_start3A_355] : memref<50x1024x128xf32, #tpu.memory_space<hbm>> -> memref<1x256x128xf32, #tpu.memory_space<hbm>>
        %dma_start3A_357 = tpu.memref_squeeze %dma_start3A_356 : memref<1x256x128xf32, #tpu.memory_space<hbm>> -> memref<256x128xf32, #tpu.memory_space<hbm>>
        tpu.enqueue_dma source(%arg7 : memref<256x128xf32, #tpu.memory_space<vmem>>) target(%dma_start3A_357 : memref<256x128xf32, #tpu.memory_space<hbm>>) target_semaphore(%arg11 : memref<!tpu.dma_semaphore, #tpu.memory_space<semaphore_mem>>)
      } else {
      }
      %and3A_210 = arith.constant 1 : i32
      %and3A_211 = arith.andi %while3A_202, %and3A_210 : i32
      %eq3A_212 = arith.constant 1 : i32
      %eq3A_213 = arith.cmpi eq, %and3A_211, %eq3A_212 : i32
      %convert_element_type3A_214 = arith.extui %eq3A_213 : i1 to i32
      %cond3A_215 = arith.constant 0 : i32
      %cond3A_216 = arith.cmpi ne, %convert_element_type3A_214, %cond3A_215 : i32
      scf.if %cond3A_216 {
        %mul3A_217 = arith.constant 32 : i32
        %mul3A_218 = arith.muli %while3A_202, %mul3A_217 : i32
        %add3A_219 = arith.addi %add3A, %mul3A_218 : i32
        %jit3A_220 = arith.constant 4 : i32
        %div3A_221 = arith.divsi %add3A_219, %jit3A_220 : i32
        %sign3A_222 = arith.constant 0 : i32
        %sign3A_223 = arith.cmpi sgt, %add3A_219, %sign3A_222 : i32
        %sign3A_224 = arith.extui %sign3A_223 : i1 to i32
        %sign3A_225 = arith.constant 0 : i32
        %sign3A_226 = arith.cmpi slt, %add3A_219, %sign3A_225 : i32
        %sign3A_227 = arith.extui %sign3A_226 : i1 to i32
        %sign3A_228 = arith.subi %sign3A_224, %sign3A_227 : i32
        %sign3A_229 = arith.constant 0 : i32
        %sign3A_230 = arith.cmpi sgt, %jit3A_220, %sign3A_229 : i32
        %sign3A_231 = arith.extui %sign3A_230 : i1 to i32
        %sign3A_232 = arith.constant 0 : i32
        %sign3A_233 = arith.cmpi slt, %jit3A_220, %sign3A_232 : i32
        %sign3A_234 = arith.extui %sign3A_233 : i1 to i32
        %sign3A_235 = arith.subi %sign3A_231, %sign3A_234 : i32
        %ne3A_236 = arith.cmpi ne, %sign3A_228, %sign3A_235 : i32
        %rem3A_237 = arith.remsi %add3A_219, %jit3A_220 : i32
        %ne3A_238 = arith.constant 0 : i32
        %ne3A_239 = arith.cmpi ne, %rem3A_237, %ne3A_238 : i32
        %and3A_240 = arith.andi %ne3A_236, %ne3A_239 : i1
        %sub3A_241 = arith.constant 1 : i32
        %sub3A_242 = arith.subi %div3A_221, %sub3A_241 : i32
        %select_n3A_243 = arith.select %and3A_240, %sub3A_242, %div3A_221 : i32
        %jit3A_244 = arith.constant 4 : i32
        %eq3A_245 = arith.constant 0 : i32
        %eq3A_246 = arith.cmpi eq, %jit3A_244, %eq3A_245 : i32
        %jit3A_247 = arith.constant 1 : i32
        %select_n3A_248 = arith.select %eq3A_246, %jit3A_247, %jit3A_244 : i32
        %rem3A_249 = arith.remsi %add3A_219, %select_n3A_248 : i32
        %ne3A_250 = arith.constant 0 : i32
        %ne3A_251 = arith.cmpi ne, %rem3A_249, %ne3A_250 : i32
        %lt3A_252 = arith.constant 0 : i32
        %lt3A_253 = arith.cmpi slt, %rem3A_249, %lt3A_252 : i32
        %lt3A_254 = arith.constant 0 : i32
        %lt3A_255 = arith.cmpi slt, %select_n3A_248, %lt3A_254 : i32
        %ne3A_256 = arith.xori %lt3A_253, %lt3A_255 : i1
        %and3A_257 = arith.andi %ne3A_256, %ne3A_251 : i1
        %add3A_258 = arith.addi %rem3A_249, %select_n3A_248 : i32
        %select_n3A_259 = arith.select %and3A_257, %add3A_258, %rem3A_249 : i32
        %mul3A_260 = arith.constant 256 : i32
        %mul3A_261 = arith.muli %select_n3A_259, %mul3A_260 : i32
        %mul3A_262 = arith.constant 32 : i32
        %mul3A_263 = arith.muli %while3A_202, %mul3A_262 : i32
        %add3A_264 = arith.addi %add3A, %mul3A_263 : i32
        %jit3A_265 = arith.constant 4 : i32
        %div3A_266 = arith.divsi %add3A_264, %jit3A_265 : i32
        %sign3A_267 = arith.constant 0 : i32
        %sign3A_268 = arith.cmpi sgt, %add3A_264, %sign3A_267 : i32
        %sign3A_269 = arith.extui %sign3A_268 : i1 to i32
        %sign3A_270 = arith.constant 0 : i32
        %sign3A_271 = arith.cmpi slt, %add3A_264, %sign3A_270 : i32
        %sign3A_272 = arith.extui %sign3A_271 : i1 to i32
        %sign3A_273 = arith.subi %sign3A_269, %sign3A_272 : i32
        %sign3A_274 = arith.constant 0 : i32
        %sign3A_275 = arith.cmpi sgt, %jit3A_265, %sign3A_274 : i32
        %sign3A_276 = arith.extui %sign3A_275 : i1 to i32
        %sign3A_277 = arith.constant 0 : i32
        %sign3A_278 = arith.cmpi slt, %jit3A_265, %sign3A_277 : i32
        %sign3A_279 = arith.extui %sign3A_278 : i1 to i32
        %sign3A_280 = arith.subi %sign3A_276, %sign3A_279 : i32
        %ne3A_281 = arith.cmpi ne, %sign3A_273, %sign3A_280 : i32
        %rem3A_282 = arith.remsi %add3A_264, %jit3A_265 : i32
        %ne3A_283 = arith.constant 0 : i32
        %ne3A_284 = arith.cmpi ne, %rem3A_282, %ne3A_283 : i32
        %and3A_285 = arith.andi %ne3A_281, %ne3A_284 : i1
        %sub3A_286 = arith.constant 1 : i32
        %sub3A_287 = arith.subi %div3A_266, %sub3A_286 : i32
        %select_n3A_288 = arith.select %and3A_285, %sub3A_287, %div3A_266 : i32
        %jit3A_289 = arith.constant 4 : i32
        %eq3A_290 = arith.constant 0 : i32
        %eq3A_291 = arith.cmpi eq, %jit3A_289, %eq3A_290 : i32
        %jit3A_292 = arith.constant 1 : i32
        %select_n3A_293 = arith.select %eq3A_291, %jit3A_292, %jit3A_289 : i32
        %rem3A_294 = arith.remsi %add3A_264, %select_n3A_293 : i32
        %ne3A_295 = arith.constant 0 : i32
        %ne3A_296 = arith.cmpi ne, %rem3A_294, %ne3A_295 : i32
        %lt3A_297 = arith.constant 0 : i32
        %lt3A_298 = arith.cmpi slt, %rem3A_294, %lt3A_297 : i32
        %lt3A_299 = arith.constant 0 : i32
        %lt3A_300 = arith.cmpi slt, %select_n3A_293, %lt3A_299 : i32
        %ne3A_301 = arith.xori %lt3A_298, %lt3A_300 : i1
        %and3A_302 = arith.andi %ne3A_301, %ne3A_296 : i1
        %add3A_303 = arith.addi %rem3A_294, %select_n3A_293 : i32
        %select_n3A_304 = arith.select %and3A_302, %add3A_303, %rem3A_294 : i32
        %mul3A_305 = arith.constant 256 : i32
        %mul3A_306 = arith.muli %select_n3A_304, %mul3A_305 : i32
        %dma_wait3A = tpu.memref_slice %arg3[%select_n3A_288, %mul3A_306] : memref<50x1024xi32, #tpu.memory_space<hbm>> -> memref<1x256xi32, #tpu.memory_space<hbm>>
        %dma_wait3A_307 = tpu.memref_squeeze %dma_wait3A : memref<1x256xi32, #tpu.memory_space<hbm>> -> memref<256xi32, #tpu.memory_space<hbm>>
        %dma_wait3A_308 = tpu.memref_slice %arg3[%select_n3A_288, %mul3A_306] : memref<50x1024xi32, #tpu.memory_space<hbm>> -> memref<1x256xi32, #tpu.memory_space<hbm>>
        %dma_wait3A_309 = tpu.memref_squeeze %dma_wait3A_308 : memref<1x256xi32, #tpu.memory_space<hbm>> -> memref<256xi32, #tpu.memory_space<hbm>>
        tpu.wait_dma2 semaphore(%arg13 : memref<!tpu.dma_semaphore, #tpu.memory_space<semaphore_mem>>) src(%dma_wait3A_309 : memref<256xi32, #tpu.memory_space<hbm>>) dst(%arg6 : memref<256xi32, #tpu.memory_space<vmem>>)
        %ge3A = arith.constant 2 : i32
        %ge3A_310 = arith.cmpi sge, %while3A_202, %ge3A : i32
        %convert_element_type3A_311 = arith.extui %ge3A_310 : i1 to i32
        %cond3A_312 = arith.constant 0 : i32
        %cond3A_313 = arith.cmpi ne, %convert_element_type3A_311, %cond3A_312 : i32
        scf.if %cond3A_313 {
          %sub3A_358 = arith.constant 64 : i32
          %sub3A_359 = arith.subi %add3A_219, %sub3A_358 : i32
          %jit3A_360 = arith.constant 4 : i32
          %div3A_361 = arith.divsi %sub3A_359, %jit3A_360 : i32
          %sign3A_362 = arith.constant 0 : i32
          %sign3A_363 = arith.cmpi sgt, %sub3A_359, %sign3A_362 : i32
          %sign3A_364 = arith.extui %sign3A_363 : i1 to i32
          %sign3A_365 = arith.constant 0 : i32
          %sign3A_366 = arith.cmpi slt, %sub3A_359, %sign3A_365 : i32
          %sign3A_367 = arith.extui %sign3A_366 : i1 to i32
          %sign3A_368 = arith.subi %sign3A_364, %sign3A_367 : i32
          %sign3A_369 = arith.constant 0 : i32
          %sign3A_370 = arith.cmpi sgt, %jit3A_360, %sign3A_369 : i32
          %sign3A_371 = arith.extui %sign3A_370 : i1 to i32
          %sign3A_372 = arith.constant 0 : i32
          %sign3A_373 = arith.cmpi slt, %jit3A_360, %sign3A_372 : i32
          %sign3A_374 = arith.extui %sign3A_373 : i1 to i32
          %sign3A_375 = arith.subi %sign3A_371, %sign3A_374 : i32
          %ne3A_376 = arith.cmpi ne, %sign3A_368, %sign3A_375 : i32
          %rem3A_377 = arith.remsi %sub3A_359, %jit3A_360 : i32
          %ne3A_378 = arith.constant 0 : i32
          %ne3A_379 = arith.cmpi ne, %rem3A_377, %ne3A_378 : i32
          %and3A_380 = arith.andi %ne3A_376, %ne3A_379 : i1
          %sub3A_381 = arith.constant 1 : i32
          %sub3A_382 = arith.subi %div3A_361, %sub3A_381 : i32
          %select_n3A_383 = arith.select %and3A_380, %sub3A_382, %div3A_361 : i32
          %jit3A_384 = arith.constant 4 : i32
          %eq3A_385 = arith.constant 0 : i32
          %eq3A_386 = arith.cmpi eq, %jit3A_384, %eq3A_385 : i32
          %jit3A_387 = arith.constant 1 : i32
          %select_n3A_388 = arith.select %eq3A_386, %jit3A_387, %jit3A_384 : i32
          %rem3A_389 = arith.remsi %sub3A_359, %select_n3A_388 : i32
          %ne3A_390 = arith.constant 0 : i32
          %ne3A_391 = arith.cmpi ne, %rem3A_389, %ne3A_390 : i32
          %lt3A_392 = arith.constant 0 : i32
          %lt3A_393 = arith.cmpi slt, %rem3A_389, %lt3A_392 : i32
          %lt3A_394 = arith.constant 0 : i32
          %lt3A_395 = arith.cmpi slt, %select_n3A_388, %lt3A_394 : i32
          %ne3A_396 = arith.xori %lt3A_393, %lt3A_395 : i1
          %and3A_397 = arith.andi %ne3A_396, %ne3A_391 : i1
          %add3A_398 = arith.addi %rem3A_389, %select_n3A_388 : i32
          %select_n3A_399 = arith.select %and3A_397, %add3A_398, %rem3A_389 : i32
          %mul3A_400 = arith.constant 256 : i32
          %mul3A_401 = arith.muli %select_n3A_399, %mul3A_400 : i32
          %dma_wait3A_402 = arith.constant 0 : i32
          %dma_wait3A_403 = tpu.memref_slice %arg4[%select_n3A_383, %mul3A_401, %dma_wait3A_402] : memref<50x1024x128xf32, #tpu.memory_space<hbm>> -> memref<1x256x128xf32, #tpu.memory_space<hbm>>
          %dma_wait3A_404 = tpu.memref_squeeze %dma_wait3A_403 : memref<1x256x128xf32, #tpu.memory_space<hbm>> -> memref<256x128xf32, #tpu.memory_space<hbm>>
          %dma_wait3A_405 = arith.constant 0 : i32
          %dma_wait3A_406 = tpu.memref_slice %arg4[%select_n3A_383, %mul3A_401, %dma_wait3A_405] : memref<50x1024x128xf32, #tpu.memory_space<hbm>> -> memref<1x256x128xf32, #tpu.memory_space<hbm>>
          %dma_wait3A_407 = tpu.memref_squeeze %dma_wait3A_406 : memref<1x256x128xf32, #tpu.memory_space<hbm>> -> memref<256x128xf32, #tpu.memory_space<hbm>>
          tpu.wait_dma2 semaphore(%arg12 : memref<!tpu.dma_semaphore, #tpu.memory_space<semaphore_mem>>) src(%arg8 : memref<256x128xf32, #tpu.memory_space<vmem>>) dst(%dma_wait3A_407 : memref<256x128xf32, #tpu.memory_space<hbm>>)
        } else {
        }
        %dma_start3A_314 = arith.constant 0 : i32
        %dma_start3A_315 = arith.constant 0 : i32
        %dma_start3A_316 = tpu.memref_slice %arg8[%dma_start3A_314, %dma_start3A_315] : memref<256x128xf32, #tpu.memory_space<vmem>> -> memref<128x128xf32, #tpu.memory_space<vmem>>
        %dma_start3A_317 = arith.constant 0 : i32
        %dma_start3A_318 = tpu.memref_slice %arg6[%dma_start3A_317] : memref<256xi32, #tpu.memory_space<vmem>> -> memref<128xi32, #tpu.memory_space<vmem>>
        %dma_start3A_319 = arith.constant 0 : i32
        %dma_start3A_320 = arith.constant 0 : i32
        %dma_start3A_321 = tpu.memref_slice %arg9[%dma_start3A_319, %dma_start3A_320] : memref<200x128xf32, #tpu.memory_space<vmem_shared>> -> memref<200x128xf32, #tpu.memory_space<vmem_shared>>
        tpu.enqueue_indirect_dma source(%dma_start3A_321 : memref<200x128xf32, #tpu.memory_space<vmem_shared>>) target(%dma_start3A_316 : memref<128x128xf32, #tpu.memory_space<vmem>>) offsets(%dma_start3A_318 : memref<128xi32, #tpu.memory_space<vmem>>) semaphore(%arg10 : memref<!tpu.dma_semaphore, #tpu.memory_space<semaphore_mem>>)
        %dma_start3A_322 = arith.constant 128 : i32
        %dma_start3A_323 = arith.constant 0 : i32
        %dma_start3A_324 = tpu.memref_slice %arg8[%dma_start3A_322, %dma_start3A_323] : memref<256x128xf32, #tpu.memory_space<vmem>> -> memref<128x128xf32, #tpu.memory_space<vmem>>
        %dma_start3A_325 = arith.constant 128 : i32
        %dma_start3A_326 = tpu.memref_slice %arg6[%dma_start3A_325] : memref<256xi32, #tpu.memory_space<vmem>> -> memref<128xi32, #tpu.memory_space<vmem>>
        %dma_start3A_327 = arith.constant 0 : i32
        %dma_start3A_328 = arith.constant 0 : i32
        %dma_start3A_329 = tpu.memref_slice %arg9[%dma_start3A_327, %dma_start3A_328] : memref<200x128xf32, #tpu.memory_space<vmem_shared>> -> memref<200x128xf32, #tpu.memory_space<vmem_shared>>
        tpu.enqueue_indirect_dma source(%dma_start3A_329 : memref<200x128xf32, #tpu.memory_space<vmem_shared>>) target(%dma_start3A_324 : memref<128x128xf32, #tpu.memory_space<vmem>>) offsets(%dma_start3A_326 : memref<128xi32, #tpu.memory_space<vmem>>) semaphore(%arg10 : memref<!tpu.dma_semaphore, #tpu.memory_space<semaphore_mem>>)
        %add3A_330 = arith.constant 1 : i32
        %add3A_331 = arith.addi %while3A_202, %add3A_330 : i32
        %lt3A_332 = arith.cmpi slt, %add3A_331, %select_n3A : i32
        %convert_element_type3A_333 = arith.extui %lt3A_332 : i1 to i32
        %cond3A_334 = arith.constant 0 : i32
        %cond3A_335 = arith.cmpi ne, %convert_element_type3A_333, %cond3A_334 : i32
        scf.if %cond3A_335 {
          %add3A_358 = arith.constant 1 : i32
          %add3A_359 = arith.addi %while3A_202, %add3A_358 : i32
          %mul3A_360 = arith.constant 32 : i32
          %mul3A_361 = arith.muli %add3A_359, %mul3A_360 : i32
          %add3A_362 = arith.addi %add3A, %mul3A_361 : i32
          %jit3A_363 = arith.constant 4 : i32
          %div3A_364 = arith.divsi %add3A_362, %jit3A_363 : i32
          %sign3A_365 = arith.constant 0 : i32
          %sign3A_366 = arith.cmpi sgt, %add3A_362, %sign3A_365 : i32
          %sign3A_367 = arith.extui %sign3A_366 : i1 to i32
          %sign3A_368 = arith.constant 0 : i32
          %sign3A_369 = arith.cmpi slt, %add3A_362, %sign3A_368 : i32
          %sign3A_370 = arith.extui %sign3A_369 : i1 to i32
          %sign3A_371 = arith.subi %sign3A_367, %sign3A_370 : i32
          %sign3A_372 = arith.constant 0 : i32
          %sign3A_373 = arith.cmpi sgt, %jit3A_363, %sign3A_372 : i32
          %sign3A_374 = arith.extui %sign3A_373 : i1 to i32
          %sign3A_375 = arith.constant 0 : i32
          %sign3A_376 = arith.cmpi slt, %jit3A_363, %sign3A_375 : i32
          %sign3A_377 = arith.extui %sign3A_376 : i1 to i32
          %sign3A_378 = arith.subi %sign3A_374, %sign3A_377 : i32
          %ne3A_379 = arith.cmpi ne, %sign3A_371, %sign3A_378 : i32
          %rem3A_380 = arith.remsi %add3A_362, %jit3A_363 : i32
          %ne3A_381 = arith.constant 0 : i32
          %ne3A_382 = arith.cmpi ne, %rem3A_380, %ne3A_381 : i32
          %and3A_383 = arith.andi %ne3A_379, %ne3A_382 : i1
          %sub3A_384 = arith.constant 1 : i32
          %sub3A_385 = arith.subi %div3A_364, %sub3A_384 : i32
          %select_n3A_386 = arith.select %and3A_383, %sub3A_385, %div3A_364 : i32
          %jit3A_387 = arith.constant 4 : i32
          %eq3A_388 = arith.constant 0 : i32
          %eq3A_389 = arith.cmpi eq, %jit3A_387, %eq3A_388 : i32
          %jit3A_390 = arith.constant 1 : i32
          %select_n3A_391 = arith.select %eq3A_389, %jit3A_390, %jit3A_387 : i32
          %rem3A_392 = arith.remsi %add3A_362, %select_n3A_391 : i32
          %ne3A_393 = arith.constant 0 : i32
          %ne3A_394 = arith.cmpi ne, %rem3A_392, %ne3A_393 : i32
          %lt3A_395 = arith.constant 0 : i32
          %lt3A_396 = arith.cmpi slt, %rem3A_392, %lt3A_395 : i32
          %lt3A_397 = arith.constant 0 : i32
          %lt3A_398 = arith.cmpi slt, %select_n3A_391, %lt3A_397 : i32
          %ne3A_399 = arith.xori %lt3A_396, %lt3A_398 : i1
          %and3A_400 = arith.andi %ne3A_399, %ne3A_394 : i1
          %add3A_401 = arith.addi %rem3A_392, %select_n3A_391 : i32
          %select_n3A_402 = arith.select %and3A_400, %add3A_401, %rem3A_392 : i32
          %mul3A_403 = arith.constant 256 : i32
          %mul3A_404 = arith.muli %select_n3A_402, %mul3A_403 : i32
          %dma_start3A_405 = tpu.memref_slice %arg3[%select_n3A_386, %mul3A_404] : memref<50x1024xi32, #tpu.memory_space<hbm>> -> memref<1x256xi32, #tpu.memory_space<hbm>>
          %dma_start3A_406 = tpu.memref_squeeze %dma_start3A_405 : memref<1x256xi32, #tpu.memory_space<hbm>> -> memref<256xi32, #tpu.memory_space<hbm>>
          %dma_start3A_407 = tpu.memref_slice %arg3[%select_n3A_386, %mul3A_404] : memref<50x1024xi32, #tpu.memory_space<hbm>> -> memref<1x256xi32, #tpu.memory_space<hbm>>
          %dma_start3A_408 = tpu.memref_squeeze %dma_start3A_407 : memref<1x256xi32, #tpu.memory_space<hbm>> -> memref<256xi32, #tpu.memory_space<hbm>>
          tpu.enqueue_dma source(%dma_start3A_408 : memref<256xi32, #tpu.memory_space<hbm>>) target(%arg5 : memref<256xi32, #tpu.memory_space<vmem>>) target_semaphore(%arg13 : memref<!tpu.dma_semaphore, #tpu.memory_space<semaphore_mem>>)
        } else {
        }
        %dma_wait3A_336 = arith.constant 0 : i32
        %dma_wait3A_337 = arith.constant 0 : i32
        %dma_wait3A_338 = tpu.memref_slice %arg8[%dma_wait3A_336, %dma_wait3A_337] : memref<256x128xf32, #tpu.memory_space<vmem>> -> memref<128x128xf32, #tpu.memory_space<vmem>>
        %dma_wait3A_339 = arith.constant 0 : i32
        %dma_wait3A_340 = tpu.memref_slice %arg6[%dma_wait3A_339] : memref<256xi32, #tpu.memory_space<vmem>> -> memref<128xi32, #tpu.memory_space<vmem>>
        %dma_wait3A_341 = arith.constant 0 : i32
        %dma_wait3A_342 = arith.constant 0 : i32
        %dma_wait3A_343 = tpu.memref_slice %arg9[%dma_wait3A_341, %dma_wait3A_342] : memref<200x128xf32, #tpu.memory_space<vmem_shared>> -> memref<200x128xf32, #tpu.memory_space<vmem_shared>>
        tpu.wait_indirect_dma semaphore(%arg10 : memref<!tpu.dma_semaphore, #tpu.memory_space<semaphore_mem>>) src(%dma_wait3A_343 : memref<200x128xf32, #tpu.memory_space<vmem_shared>>) dst(%dma_wait3A_338 : memref<128x128xf32, #tpu.memory_space<vmem>>)
        %dma_wait3A_344 = arith.constant 128 : i32
        %dma_wait3A_345 = arith.constant 0 : i32
        %dma_wait3A_346 = tpu.memref_slice %arg8[%dma_wait3A_344, %dma_wait3A_345] : memref<256x128xf32, #tpu.memory_space<vmem>> -> memref<128x128xf32, #tpu.memory_space<vmem>>
        %dma_wait3A_347 = arith.constant 128 : i32
        %dma_wait3A_348 = tpu.memref_slice %arg6[%dma_wait3A_347] : memref<256xi32, #tpu.memory_space<vmem>> -> memref<128xi32, #tpu.memory_space<vmem>>
        %dma_wait3A_349 = arith.constant 0 : i32
        %dma_wait3A_350 = arith.constant 0 : i32
        %dma_wait3A_351 = tpu.memref_slice %arg9[%dma_wait3A_349, %dma_wait3A_350] : memref<200x128xf32, #tpu.memory_space<vmem_shared>> -> memref<200x128xf32, #tpu.memory_space<vmem_shared>>
        tpu.wait_indirect_dma semaphore(%arg10 : memref<!tpu.dma_semaphore, #tpu.memory_space<semaphore_mem>>) src(%dma_wait3A_351 : memref<200x128xf32, #tpu.memory_space<vmem_shared>>) dst(%dma_wait3A_346 : memref<128x128xf32, #tpu.memory_space<vmem>>)
        %dma_start3A_352 = arith.constant 0 : i32
        %dma_start3A_353 = tpu.memref_slice %arg4[%select_n3A_243, %mul3A_261, %dma_start3A_352] : memref<50x1024x128xf32, #tpu.memory_space<hbm>> -> memref<1x256x128xf32, #tpu.memory_space<hbm>>
        %dma_start3A_354 = tpu.memref_squeeze %dma_start3A_353 : memref<1x256x128xf32, #tpu.memory_space<hbm>> -> memref<256x128xf32, #tpu.memory_space<hbm>>
        %dma_start3A_355 = arith.constant 0 : i32
        %dma_start3A_356 = tpu.memref_slice %arg4[%select_n3A_243, %mul3A_261, %dma_start3A_355] : memref<50x1024x128xf32, #tpu.memory_space<hbm>> -> memref<1x256x128xf32, #tpu.memory_space<hbm>>
        %dma_start3A_357 = tpu.memref_squeeze %dma_start3A_356 : memref<1x256x128xf32, #tpu.memory_space<hbm>> -> memref<256x128xf32, #tpu.memory_space<hbm>>
        tpu.enqueue_dma source(%arg8 : memref<256x128xf32, #tpu.memory_space<vmem>>) target(%dma_start3A_357 : memref<256x128xf32, #tpu.memory_space<hbm>>) target_semaphore(%arg12 : memref<!tpu.dma_semaphore, #tpu.memory_space<semaphore_mem>>)
      } else {
      }
    }
    %while3A_79 = arith.constant 1 : i32
    scf.for %while3A_202 = %while3A_77 to %while3A_73 step %while3A_79  : i32 {
      %and3A_203 = arith.constant 1 : i32
      %and3A_204 = arith.andi %while3A_202, %and3A_203 : i32
      %eq3A_205 = arith.constant 0 : i32
      %eq3A_206 = arith.cmpi eq, %and3A_204, %eq3A_205 : i32
      %convert_element_type3A_207 = arith.extui %eq3A_206 : i1 to i32
      %cond3A_208 = arith.constant 0 : i32
      %cond3A_209 = arith.cmpi ne, %convert_element_type3A_207, %cond3A_208 : i32
      scf.if %cond3A_209 {
        %mul3A_217 = arith.constant 32 : i32
        %mul3A_218 = arith.muli %while3A_202, %mul3A_217 : i32
        %add3A_219 = arith.addi %add3A, %mul3A_218 : i32
        %jit3A_220 = arith.constant 4 : i32
        %div3A_221 = arith.divsi %add3A_219, %jit3A_220 : i32
        %sign3A_222 = arith.constant 0 : i32
        %sign3A_223 = arith.cmpi sgt, %add3A_219, %sign3A_222 : i32
        %sign3A_224 = arith.extui %sign3A_223 : i1 to i32
        %sign3A_225 = arith.constant 0 : i32
        %sign3A_226 = arith.cmpi slt, %add3A_219, %sign3A_225 : i32
        %sign3A_227 = arith.extui %sign3A_226 : i1 to i32
        %sign3A_228 = arith.subi %sign3A_224, %sign3A_227 : i32
        %sign3A_229 = arith.constant 0 : i32
        %sign3A_230 = arith.cmpi sgt, %jit3A_220, %sign3A_229 : i32
        %sign3A_231 = arith.extui %sign3A_230 : i1 to i32
        %sign3A_232 = arith.constant 0 : i32
        %sign3A_233 = arith.cmpi slt, %jit3A_220, %sign3A_232 : i32
        %sign3A_234 = arith.extui %sign3A_233 : i1 to i32
        %sign3A_235 = arith.subi %sign3A_231, %sign3A_234 : i32
        %ne3A_236 = arith.cmpi ne, %sign3A_228, %sign3A_235 : i32
        %rem3A_237 = arith.remsi %add3A_219, %jit3A_220 : i32
        %ne3A_238 = arith.constant 0 : i32
        %ne3A_239 = arith.cmpi ne, %rem3A_237, %ne3A_238 : i32
        %and3A_240 = arith.andi %ne3A_236, %ne3A_239 : i1
        %sub3A_241 = arith.constant 1 : i32
        %sub3A_242 = arith.subi %div3A_221, %sub3A_241 : i32
        %select_n3A_243 = arith.select %and3A_240, %sub3A_242, %div3A_221 : i32
        %jit3A_244 = arith.constant 4 : i32
        %eq3A_245 = arith.constant 0 : i32
        %eq3A_246 = arith.cmpi eq, %jit3A_244, %eq3A_245 : i32
        %jit3A_247 = arith.constant 1 : i32
        %select_n3A_248 = arith.select %eq3A_246, %jit3A_247, %jit3A_244 : i32
        %rem3A_249 = arith.remsi %add3A_219, %select_n3A_248 : i32
        %ne3A_250 = arith.constant 0 : i32
        %ne3A_251 = arith.cmpi ne, %rem3A_249, %ne3A_250 : i32
        %lt3A_252 = arith.constant 0 : i32
        %lt3A_253 = arith.cmpi slt, %rem3A_249, %lt3A_252 : i32
        %lt3A_254 = arith.constant 0 : i32
        %lt3A_255 = arith.cmpi slt, %select_n3A_248, %lt3A_254 : i32
        %ne3A_256 = arith.xori %lt3A_253, %lt3A_255 : i1
        %and3A_257 = arith.andi %ne3A_256, %ne3A_251 : i1
        %add3A_258 = arith.addi %rem3A_249, %select_n3A_248 : i32
        %select_n3A_259 = arith.select %and3A_257, %add3A_258, %rem3A_249 : i32
        %mul3A_260 = arith.constant 256 : i32
        %mul3A_261 = arith.muli %select_n3A_259, %mul3A_260 : i32
        %mul3A_262 = arith.constant 32 : i32
        %mul3A_263 = arith.muli %while3A_202, %mul3A_262 : i32
        %add3A_264 = arith.addi %add3A, %mul3A_263 : i32
        %jit3A_265 = arith.constant 4 : i32
        %div3A_266 = arith.divsi %add3A_264, %jit3A_265 : i32
        %sign3A_267 = arith.constant 0 : i32
        %sign3A_268 = arith.cmpi sgt, %add3A_264, %sign3A_267 : i32
        %sign3A_269 = arith.extui %sign3A_268 : i1 to i32
        %sign3A_270 = arith.constant 0 : i32
        %sign3A_271 = arith.cmpi slt, %add3A_264, %sign3A_270 : i32
        %sign3A_272 = arith.extui %sign3A_271 : i1 to i32
        %sign3A_273 = arith.subi %sign3A_269, %sign3A_272 : i32
        %sign3A_274 = arith.constant 0 : i32
        %sign3A_275 = arith.cmpi sgt, %jit3A_265, %sign3A_274 : i32
        %sign3A_276 = arith.extui %sign3A_275 : i1 to i32
        %sign3A_277 = arith.constant 0 : i32
        %sign3A_278 = arith.cmpi slt, %jit3A_265, %sign3A_277 : i32
        %sign3A_279 = arith.extui %sign3A_278 : i1 to i32
        %sign3A_280 = arith.subi %sign3A_276, %sign3A_279 : i32
        %ne3A_281 = arith.cmpi ne, %sign3A_273, %sign3A_280 : i32
        %rem3A_282 = arith.remsi %add3A_264, %jit3A_265 : i32
        %ne3A_283 = arith.constant 0 : i32
        %ne3A_284 = arith.cmpi ne, %rem3A_282, %ne3A_283 : i32
        %and3A_285 = arith.andi %ne3A_281, %ne3A_284 : i1
        %sub3A_286 = arith.constant 1 : i32
        %sub3A_287 = arith.subi %div3A_266, %sub3A_286 : i32
        %select_n3A_288 = arith.select %and3A_285, %sub3A_287, %div3A_266 : i32
        %jit3A_289 = arith.constant 4 : i32
        %eq3A_290 = arith.constant 0 : i32
        %eq3A_291 = arith.cmpi eq, %jit3A_289, %eq3A_290 : i32
        %jit3A_292 = arith.constant 1 : i32
        %select_n3A_293 = arith.select %eq3A_291, %jit3A_292, %jit3A_289 : i32
        %rem3A_294 = arith.remsi %add3A_264, %select_n3A_293 : i32
        %ne3A_295 = arith.constant 0 : i32
        %ne3A_296 = arith.cmpi ne, %rem3A_294, %ne3A_295 : i32
        %lt3A_297 = arith.constant 0 : i32
        %lt3A_298 = arith.cmpi slt, %rem3A_294, %lt3A_297 : i32
        %lt3A_299 = arith.constant 0 : i32
        %lt3A_300 = arith.cmpi slt, %select_n3A_293, %lt3A_299 : i32
        %ne3A_301 = arith.xori %lt3A_298, %lt3A_300 : i1
        %and3A_302 = arith.andi %ne3A_301, %ne3A_296 : i1
        %add3A_303 = arith.addi %rem3A_294, %select_n3A_293 : i32
        %select_n3A_304 = arith.select %and3A_302, %add3A_303, %rem3A_294 : i32
        %mul3A_305 = arith.constant 256 : i32
        %mul3A_306 = arith.muli %select_n3A_304, %mul3A_305 : i32
        %dma_wait3A = tpu.memref_slice %arg3[%select_n3A_288, %mul3A_306] : memref<50x1024xi32, #tpu.memory_space<hbm>> -> memref<1x256xi32, #tpu.memory_space<hbm>>
        %dma_wait3A_307 = tpu.memref_squeeze %dma_wait3A : memref<1x256xi32, #tpu.memory_space<hbm>> -> memref<256xi32, #tpu.memory_space<hbm>>
        %dma_wait3A_308 = tpu.memref_slice %arg3[%select_n3A_288, %mul3A_306] : memref<50x1024xi32, #tpu.memory_space<hbm>> -> memref<1x256xi32, #tpu.memory_space<hbm>>
        %dma_wait3A_309 = tpu.memref_squeeze %dma_wait3A_308 : memref<1x256xi32, #tpu.memory_space<hbm>> -> memref<256xi32, #tpu.memory_space<hbm>>
        tpu.wait_dma2 semaphore(%arg13 : memref<!tpu.dma_semaphore, #tpu.memory_space<semaphore_mem>>) src(%dma_wait3A_309 : memref<256xi32, #tpu.memory_space<hbm>>) dst(%arg5 : memref<256xi32, #tpu.memory_space<vmem>>)
        %ge3A = arith.constant 2 : i32
        %ge3A_310 = arith.cmpi sge, %while3A_202, %ge3A : i32
        %convert_element_type3A_311 = arith.extui %ge3A_310 : i1 to i32
        %cond3A_312 = arith.constant 0 : i32
        %cond3A_313 = arith.cmpi ne, %convert_element_type3A_311, %cond3A_312 : i32
        scf.if %cond3A_313 {
          %sub3A_358 = arith.constant 64 : i32
          %sub3A_359 = arith.subi %add3A_219, %sub3A_358 : i32
          %jit3A_360 = arith.constant 4 : i32
          %div3A_361 = arith.divsi %sub3A_359, %jit3A_360 : i32
          %sign3A_362 = arith.constant 0 : i32
          %sign3A_363 = arith.cmpi sgt, %sub3A_359, %sign3A_362 : i32
          %sign3A_364 = arith.extui %sign3A_363 : i1 to i32
          %sign3A_365 = arith.constant 0 : i32
          %sign3A_366 = arith.cmpi slt, %sub3A_359, %sign3A_365 : i32
          %sign3A_367 = arith.extui %sign3A_366 : i1 to i32
          %sign3A_368 = arith.subi %sign3A_364, %sign3A_367 : i32
          %sign3A_369 = arith.constant 0 : i32
          %sign3A_370 = arith.cmpi sgt, %jit3A_360, %sign3A_369 : i32
          %sign3A_371 = arith.extui %sign3A_370 : i1 to i32
          %sign3A_372 = arith.constant 0 : i32
          %sign3A_373 = arith.cmpi slt, %jit3A_360, %sign3A_372 : i32
          %sign3A_374 = arith.extui %sign3A_373 : i1 to i32
          %sign3A_375 = arith.subi %sign3A_371, %sign3A_374 : i32
          %ne3A_376 = arith.cmpi ne, %sign3A_368, %sign3A_375 : i32
          %rem3A_377 = arith.remsi %sub3A_359, %jit3A_360 : i32
          %ne3A_378 = arith.constant 0 : i32
          %ne3A_379 = arith.cmpi ne, %rem3A_377, %ne3A_378 : i32
          %and3A_380 = arith.andi %ne3A_376, %ne3A_379 : i1
          %sub3A_381 = arith.constant 1 : i32
          %sub3A_382 = arith.subi %div3A_361, %sub3A_381 : i32
          %select_n3A_383 = arith.select %and3A_380, %sub3A_382, %div3A_361 : i32
          %jit3A_384 = arith.constant 4 : i32
          %eq3A_385 = arith.constant 0 : i32
          %eq3A_386 = arith.cmpi eq, %jit3A_384, %eq3A_385 : i32
          %jit3A_387 = arith.constant 1 : i32
          %select_n3A_388 = arith.select %eq3A_386, %jit3A_387, %jit3A_384 : i32
          %rem3A_389 = arith.remsi %sub3A_359, %select_n3A_388 : i32
          %ne3A_390 = arith.constant 0 : i32
          %ne3A_391 = arith.cmpi ne, %rem3A_389, %ne3A_390 : i32
          %lt3A_392 = arith.constant 0 : i32
          %lt3A_393 = arith.cmpi slt, %rem3A_389, %lt3A_392 : i32
          %lt3A_394 = arith.constant 0 : i32
          %lt3A_395 = arith.cmpi slt, %select_n3A_388, %lt3A_394 : i32
          %ne3A_396 = arith.xori %lt3A_393, %lt3A_395 : i1
          %and3A_397 = arith.andi %ne3A_396, %ne3A_391 : i1
          %add3A_398 = arith.addi %rem3A_389, %select_n3A_388 : i32
          %select_n3A_399 = arith.select %and3A_397, %add3A_398, %rem3A_389 : i32
          %mul3A_400 = arith.constant 256 : i32
          %mul3A_401 = arith.muli %select_n3A_399, %mul3A_400 : i32
          %dma_wait3A_402 = arith.constant 0 : i32
          %dma_wait3A_403 = tpu.memref_slice %arg4[%select_n3A_383, %mul3A_401, %dma_wait3A_402] : memref<50x1024x128xf32, #tpu.memory_space<hbm>> -> memref<1x256x128xf32, #tpu.memory_space<hbm>>
          %dma_wait3A_404 = tpu.memref_squeeze %dma_wait3A_403 : memref<1x256x128xf32, #tpu.memory_space<hbm>> -> memref<256x128xf32, #tpu.memory_space<hbm>>
          %dma_wait3A_405 = arith.constant 0 : i32
          %dma_wait3A_406 = tpu.memref_slice %arg4[%select_n3A_383, %mul3A_401, %dma_wait3A_405] : memref<50x1024x128xf32, #tpu.memory_space<hbm>> -> memref<1x256x128xf32, #tpu.memory_space<hbm>>
          %dma_wait3A_407 = tpu.memref_squeeze %dma_wait3A_406 : memref<1x256x128xf32, #tpu.memory_space<hbm>> -> memref<256x128xf32, #tpu.memory_space<hbm>>
          tpu.wait_dma2 semaphore(%arg11 : memref<!tpu.dma_semaphore, #tpu.memory_space<semaphore_mem>>) src(%arg7 : memref<256x128xf32, #tpu.memory_space<vmem>>) dst(%dma_wait3A_407 : memref<256x128xf32, #tpu.memory_space<hbm>>)
        } else {
        }
        %dma_start3A_314 = arith.constant 0 : i32
        %dma_start3A_315 = arith.constant 0 : i32
        %dma_start3A_316 = tpu.memref_slice %arg7[%dma_start3A_314, %dma_start3A_315] : memref<256x128xf32, #tpu.memory_space<vmem>> -> memref<128x128xf32, #tpu.memory_space<vmem>>
        %dma_start3A_317 = arith.constant 0 : i32
        %dma_start3A_318 = tpu.memref_slice %arg5[%dma_start3A_317] : memref<256xi32, #tpu.memory_space<vmem>> -> memref<128xi32, #tpu.memory_space<vmem>>
        %dma_start3A_319 = arith.constant 0 : i32
        %dma_start3A_320 = arith.constant 0 : i32
        %dma_start3A_321 = tpu.memref_slice %arg9[%dma_start3A_319, %dma_start3A_320] : memref<200x128xf32, #tpu.memory_space<vmem_shared>> -> memref<200x128xf32, #tpu.memory_space<vmem_shared>>
        tpu.enqueue_indirect_dma source(%dma_start3A_321 : memref<200x128xf32, #tpu.memory_space<vmem_shared>>) target(%dma_start3A_316 : memref<128x128xf32, #tpu.memory_space<vmem>>) offsets(%dma_start3A_318 : memref<128xi32, #tpu.memory_space<vmem>>) semaphore(%arg10 : memref<!tpu.dma_semaphore, #tpu.memory_space<semaphore_mem>>)
        %dma_start3A_322 = arith.constant 128 : i32
        %dma_start3A_323 = arith.constant 0 : i32
        %dma_start3A_324 = tpu.memref_slice %arg7[%dma_start3A_322, %dma_start3A_323] : memref<256x128xf32, #tpu.memory_space<vmem>> -> memref<128x128xf32, #tpu.memory_space<vmem>>
        %dma_start3A_325 = arith.constant 128 : i32
        %dma_start3A_326 = tpu.memref_slice %arg5[%dma_start3A_325] : memref<256xi32, #tpu.memory_space<vmem>> -> memref<128xi32, #tpu.memory_space<vmem>>
        %dma_start3A_327 = arith.constant 0 : i32
        %dma_start3A_328 = arith.constant 0 : i32
        %dma_start3A_329 = tpu.memref_slice %arg9[%dma_start3A_327, %dma_start3A_328] : memref<200x128xf32, #tpu.memory_space<vmem_shared>> -> memref<200x128xf32, #tpu.memory_space<vmem_shared>>
        tpu.enqueue_indirect_dma source(%dma_start3A_329 : memref<200x128xf32, #tpu.memory_space<vmem_shared>>) target(%dma_start3A_324 : memref<128x128xf32, #tpu.memory_space<vmem>>) offsets(%dma_start3A_326 : memref<128xi32, #tpu.memory_space<vmem>>) semaphore(%arg10 : memref<!tpu.dma_semaphore, #tpu.memory_space<semaphore_mem>>)
        %add3A_330 = arith.constant 1 : i32
        %add3A_331 = arith.addi %while3A_202, %add3A_330 : i32
        %lt3A_332 = arith.cmpi slt, %add3A_331, %select_n3A : i32
        %convert_element_type3A_333 = arith.extui %lt3A_332 : i1 to i32
        %cond3A_334 = arith.constant 0 : i32
        %cond3A_335 = arith.cmpi ne, %convert_element_type3A_333, %cond3A_334 : i32
        scf.if %cond3A_335 {
          %add3A_358 = arith.constant 1 : i32
          %add3A_359 = arith.addi %while3A_202, %add3A_358 : i32
          %mul3A_360 = arith.constant 32 : i32
          %mul3A_361 = arith.muli %add3A_359, %mul3A_360 : i32
          %add3A_362 = arith.addi %add3A, %mul3A_361 : i32
          %jit3A_363 = arith.constant 4 : i32
          %div3A_364 = arith.divsi %add3A_362, %jit3A_363 : i32
          %sign3A_365 = arith.constant 0 : i32
          %sign3A_366 = arith.cmpi sgt, %add3A_362, %sign3A_365 : i32
          %sign3A_367 = arith.extui %sign3A_366 : i1 to i32
          %sign3A_368 = arith.constant 0 : i32
          %sign3A_369 = arith.cmpi slt, %add3A_362, %sign3A_368 : i32
          %sign3A_370 = arith.extui %sign3A_369 : i1 to i32
          %sign3A_371 = arith.subi %sign3A_367, %sign3A_370 : i32
          %sign3A_372 = arith.constant 0 : i32
          %sign3A_373 = arith.cmpi sgt, %jit3A_363, %sign3A_372 : i32
          %sign3A_374 = arith.extui %sign3A_373 : i1 to i32
          %sign3A_375 = arith.constant 0 : i32
          %sign3A_376 = arith.cmpi slt, %jit3A_363, %sign3A_375 : i32
          %sign3A_377 = arith.extui %sign3A_376 : i1 to i32
          %sign3A_378 = arith.subi %sign3A_374, %sign3A_377 : i32
          %ne3A_379 = arith.cmpi ne, %sign3A_371, %sign3A_378 : i32
          %rem3A_380 = arith.remsi %add3A_362, %jit3A_363 : i32
          %ne3A_381 = arith.constant 0 : i32
          %ne3A_382 = arith.cmpi ne, %rem3A_380, %ne3A_381 : i32
          %and3A_383 = arith.andi %ne3A_379, %ne3A_382 : i1
          %sub3A_384 = arith.constant 1 : i32
          %sub3A_385 = arith.subi %div3A_364, %sub3A_384 : i32
          %select_n3A_386 = arith.select %and3A_383, %sub3A_385, %div3A_364 : i32
          %jit3A_387 = arith.constant 4 : i32
          %eq3A_388 = arith.constant 0 : i32
          %eq3A_389 = arith.cmpi eq, %jit3A_387, %eq3A_388 : i32
          %jit3A_390 = arith.constant 1 : i32
          %select_n3A_391 = arith.select %eq3A_389, %jit3A_390, %jit3A_387 : i32
          %rem3A_392 = arith.remsi %add3A_362, %select_n3A_391 : i32
          %ne3A_393 = arith.constant 0 : i32
          %ne3A_394 = arith.cmpi ne, %rem3A_392, %ne3A_393 : i32
          %lt3A_395 = arith.constant 0 : i32
          %lt3A_396 = arith.cmpi slt, %rem3A_392, %lt3A_395 : i32
          %lt3A_397 = arith.constant 0 : i32
          %lt3A_398 = arith.cmpi slt, %select_n3A_391, %lt3A_397 : i32
          %ne3A_399 = arith.xori %lt3A_396, %lt3A_398 : i1
          %and3A_400 = arith.andi %ne3A_399, %ne3A_394 : i1
          %add3A_401 = arith.addi %rem3A_392, %select_n3A_391 : i32
          %select_n3A_402 = arith.select %and3A_400, %add3A_401, %rem3A_392 : i32
          %mul3A_403 = arith.constant 256 : i32
          %mul3A_404 = arith.muli %select_n3A_402, %mul3A_403 : i32
          %dma_start3A_405 = tpu.memref_slice %arg3[%select_n3A_386, %mul3A_404] : memref<50x1024xi32, #tpu.memory_space<hbm>> -> memref<1x256xi32, #tpu.memory_space<hbm>>
          %dma_start3A_406 = tpu.memref_squeeze %dma_start3A_405 : memref<1x256xi32, #tpu.memory_space<hbm>> -> memref<256xi32, #tpu.memory_space<hbm>>
          %dma_start3A_407 = tpu.memref_slice %arg3[%select_n3A_386, %mul3A_404] : memref<50x1024xi32, #tpu.memory_space<hbm>> -> memref<1x256xi32, #tpu.memory_space<hbm>>
          %dma_start3A_408 = tpu.memref_squeeze %dma_start3A_407 : memref<1x256xi32, #tpu.memory_space<hbm>> -> memref<256xi32, #tpu.memory_space<hbm>>
          tpu.enqueue_dma source(%dma_start3A_408 : memref<256xi32, #tpu.memory_space<hbm>>) target(%arg6 : memref<256xi32, #tpu.memory_space<vmem>>) target_semaphore(%arg13 : memref<!tpu.dma_semaphore, #tpu.memory_space<semaphore_mem>>)
        } else {
        }
        %dma_wait3A_336 = arith.constant 0 : i32
        %dma_wait3A_337 = arith.constant 0 : i32
        %dma_wait3A_338 = tpu.memref_slice %arg7[%dma_wait3A_336, %dma_wait3A_337] : memref<256x128xf32, #tpu.memory_space<vmem>> -> memref<128x128xf32, #tpu.memory_space<vmem>>
        %dma_wait3A_339 = arith.constant 0 : i32
        %dma_wait3A_340 = tpu.memref_slice %arg5[%dma_wait3A_339] : memref<256xi32, #tpu.memory_space<vmem>> -> memref<128xi32, #tpu.memory_space<vmem>>
        %dma_wait3A_341 = arith.constant 0 : i32
        %dma_wait3A_342 = arith.constant 0 : i32
        %dma_wait3A_343 = tpu.memref_slice %arg9[%dma_wait3A_341, %dma_wait3A_342] : memref<200x128xf32, #tpu.memory_space<vmem_shared>> -> memref<200x128xf32, #tpu.memory_space<vmem_shared>>
        tpu.wait_indirect_dma semaphore(%arg10 : memref<!tpu.dma_semaphore, #tpu.memory_space<semaphore_mem>>) src(%dma_wait3A_343 : memref<200x128xf32, #tpu.memory_space<vmem_shared>>) dst(%dma_wait3A_338 : memref<128x128xf32, #tpu.memory_space<vmem>>)
        %dma_wait3A_344 = arith.constant 128 : i32
        %dma_wait3A_345 = arith.constant 0 : i32
        %dma_wait3A_346 = tpu.memref_slice %arg7[%dma_wait3A_344, %dma_wait3A_345] : memref<256x128xf32, #tpu.memory_space<vmem>> -> memref<128x128xf32, #tpu.memory_space<vmem>>
        %dma_wait3A_347 = arith.constant 128 : i32
        %dma_wait3A_348 = tpu.memref_slice %arg5[%dma_wait3A_347] : memref<256xi32, #tpu.memory_space<vmem>> -> memref<128xi32, #tpu.memory_space<vmem>>
        %dma_wait3A_349 = arith.constant 0 : i32
        %dma_wait3A_350 = arith.constant 0 : i32
        %dma_wait3A_351 = tpu.memref_slice %arg9[%dma_wait3A_349, %dma_wait3A_350] : memref<200x128xf32, #tpu.memory_space<vmem_shared>> -> memref<200x128xf32, #tpu.memory_space<vmem_shared>>
        tpu.wait_indirect_dma semaphore(%arg10 : memref<!tpu.dma_semaphore, #tpu.memory_space<semaphore_mem>>) src(%dma_wait3A_351 : memref<200x128xf32, #tpu.memory_space<vmem_shared>>) dst(%dma_wait3A_346 : memref<128x128xf32, #tpu.memory_space<vmem>>)
        %dma_start3A_352 = arith.constant 0 : i32
        %dma_start3A_353 = tpu.memref_slice %arg4[%select_n3A_243, %mul3A_261, %dma_start3A_352] : memref<50x1024x128xf32, #tpu.memory_space<hbm>> -> memref<1x256x128xf32, #tpu.memory_space<hbm>>
        %dma_start3A_354 = tpu.memref_squeeze %dma_start3A_353 : memref<1x256x128xf32, #tpu.memory_space<hbm>> -> memref<256x128xf32, #tpu.memory_space<hbm>>
        %dma_start3A_355 = arith.constant 0 : i32
        %dma_start3A_356 = tpu.memref_slice %arg4[%select_n3A_243, %mul3A_261, %dma_start3A_355] : memref<50x1024x128xf32, #tpu.memory_space<hbm>> -> memref<1x256x128xf32, #tpu.memory_space<hbm>>
        %dma_start3A_357 = tpu.memref_squeeze %dma_start3A_356 : memref<1x256x128xf32, #tpu.memory_space<hbm>> -> memref<256x128xf32, #tpu.memory_space<hbm>>
        tpu.enqueue_dma source(%arg7 : memref<256x128xf32, #tpu.memory_space<vmem>>) target(%dma_start3A_357 : memref<256x128xf32, #tpu.memory_space<hbm>>) target_semaphore(%arg11 : memref<!tpu.dma_semaphore, #tpu.memory_space<semaphore_mem>>)
      } else {
      }
      %and3A_210 = arith.constant 1 : i32
      %and3A_211 = arith.andi %while3A_202, %and3A_210 : i32
      %eq3A_212 = arith.constant 1 : i32
      %eq3A_213 = arith.cmpi eq, %and3A_211, %eq3A_212 : i32
      %convert_element_type3A_214 = arith.extui %eq3A_213 : i1 to i32
      %cond3A_215 = arith.constant 0 : i32
      %cond3A_216 = arith.cmpi ne, %convert_element_type3A_214, %cond3A_215 : i32
      scf.if %cond3A_216 {
        %mul3A_217 = arith.constant 32 : i32
        %mul3A_218 = arith.muli %while3A_202, %mul3A_217 : i32
        %add3A_219 = arith.addi %add3A, %mul3A_218 : i32
        %jit3A_220 = arith.constant 4 : i32
        %div3A_221 = arith.divsi %add3A_219, %jit3A_220 : i32
        %sign3A_222 = arith.constant 0 : i32
        %sign3A_223 = arith.cmpi sgt, %add3A_219, %sign3A_222 : i32
        %sign3A_224 = arith.extui %sign3A_223 : i1 to i32
        %sign3A_225 = arith.constant 0 : i32
        %sign3A_226 = arith.cmpi slt, %add3A_219, %sign3A_225 : i32
        %sign3A_227 = arith.extui %sign3A_226 : i1 to i32
        %sign3A_228 = arith.subi %sign3A_224, %sign3A_227 : i32
        %sign3A_229 = arith.constant 0 : i32
        %sign3A_230 = arith.cmpi sgt, %jit3A_220, %sign3A_229 : i32
        %sign3A_231 = arith.extui %sign3A_230 : i1 to i32
        %sign3A_232 = arith.constant 0 : i32
        %sign3A_233 = arith.cmpi slt, %jit3A_220, %sign3A_232 : i32
        %sign3A_234 = arith.extui %sign3A_233 : i1 to i32
        %sign3A_235 = arith.subi %sign3A_231, %sign3A_234 : i32
        %ne3A_236 = arith.cmpi ne, %sign3A_228, %sign3A_235 : i32
        %rem3A_237 = arith.remsi %add3A_219, %jit3A_220 : i32
        %ne3A_238 = arith.constant 0 : i32
        %ne3A_239 = arith.cmpi ne, %rem3A_237, %ne3A_238 : i32
        %and3A_240 = arith.andi %ne3A_236, %ne3A_239 : i1
        %sub3A_241 = arith.constant 1 : i32
        %sub3A_242 = arith.subi %div3A_221, %sub3A_241 : i32
        %select_n3A_243 = arith.select %and3A_240, %sub3A_242, %div3A_221 : i32
        %jit3A_244 = arith.constant 4 : i32
        %eq3A_245 = arith.constant 0 : i32
        %eq3A_246 = arith.cmpi eq, %jit3A_244, %eq3A_245 : i32
        %jit3A_247 = arith.constant 1 : i32
        %select_n3A_248 = arith.select %eq3A_246, %jit3A_247, %jit3A_244 : i32
        %rem3A_249 = arith.remsi %add3A_219, %select_n3A_248 : i32
        %ne3A_250 = arith.constant 0 : i32
        %ne3A_251 = arith.cmpi ne, %rem3A_249, %ne3A_250 : i32
        %lt3A_252 = arith.constant 0 : i32
        %lt3A_253 = arith.cmpi slt, %rem3A_249, %lt3A_252 : i32
        %lt3A_254 = arith.constant 0 : i32
        %lt3A_255 = arith.cmpi slt, %select_n3A_248, %lt3A_254 : i32
        %ne3A_256 = arith.xori %lt3A_253, %lt3A_255 : i1
        %and3A_257 = arith.andi %ne3A_256, %ne3A_251 : i1
        %add3A_258 = arith.addi %rem3A_249, %select_n3A_248 : i32
        %select_n3A_259 = arith.select %and3A_257, %add3A_258, %rem3A_249 : i32
        %mul3A_260 = arith.constant 256 : i32
        %mul3A_261 = arith.muli %select_n3A_259, %mul3A_260 : i32
        %mul3A_262 = arith.constant 32 : i32
        %mul3A_263 = arith.muli %while3A_202, %mul3A_262 : i32
        %add3A_264 = arith.addi %add3A, %mul3A_263 : i32
        %jit3A_265 = arith.constant 4 : i32
        %div3A_266 = arith.divsi %add3A_264, %jit3A_265 : i32
        %sign3A_267 = arith.constant 0 : i32
        %sign3A_268 = arith.cmpi sgt, %add3A_264, %sign3A_267 : i32
        %sign3A_269 = arith.extui %sign3A_268 : i1 to i32
        %sign3A_270 = arith.constant 0 : i32
        %sign3A_271 = arith.cmpi slt, %add3A_264, %sign3A_270 : i32
        %sign3A_272 = arith.extui %sign3A_271 : i1 to i32
        %sign3A_273 = arith.subi %sign3A_269, %sign3A_272 : i32
        %sign3A_274 = arith.constant 0 : i32
        %sign3A_275 = arith.cmpi sgt, %jit3A_265, %sign3A_274 : i32
        %sign3A_276 = arith.extui %sign3A_275 : i1 to i32
        %sign3A_277 = arith.constant 0 : i32
        %sign3A_278 = arith.cmpi slt, %jit3A_265, %sign3A_277 : i32
        %sign3A_279 = arith.extui %sign3A_278 : i1 to i32
        %sign3A_280 = arith.subi %sign3A_276, %sign3A_279 : i32
        %ne3A_281 = arith.cmpi ne, %sign3A_273, %sign3A_280 : i32
        %rem3A_282 = arith.remsi %add3A_264, %jit3A_265 : i32
        %ne3A_283 = arith.constant 0 : i32
        %ne3A_284 = arith.cmpi ne, %rem3A_282, %ne3A_283 : i32
        %and3A_285 = arith.andi %ne3A_281, %ne3A_284 : i1
        %sub3A_286 = arith.constant 1 : i32
        %sub3A_287 = arith.subi %div3A_266, %sub3A_286 : i32
        %select_n3A_288 = arith.select %and3A_285, %sub3A_287, %div3A_266 : i32
        %jit3A_289 = arith.constant 4 : i32
        %eq3A_290 = arith.constant 0 : i32
        %eq3A_291 = arith.cmpi eq, %jit3A_289, %eq3A_290 : i32
        %jit3A_292 = arith.constant 1 : i32
        %select_n3A_293 = arith.select %eq3A_291, %jit3A_292, %jit3A_289 : i32
        %rem3A_294 = arith.remsi %add3A_264, %select_n3A_293 : i32
        %ne3A_295 = arith.constant 0 : i32
        %ne3A_296 = arith.cmpi ne, %rem3A_294, %ne3A_295 : i32
        %lt3A_297 = arith.constant 0 : i32
        %lt3A_298 = arith.cmpi slt, %rem3A_294, %lt3A_297 : i32
        %lt3A_299 = arith.constant 0 : i32
        %lt3A_300 = arith.cmpi slt, %select_n3A_293, %lt3A_299 : i32
        %ne3A_301 = arith.xori %lt3A_298, %lt3A_300 : i1
        %and3A_302 = arith.andi %ne3A_301, %ne3A_296 : i1
        %add3A_303 = arith.addi %rem3A_294, %select_n3A_293 : i32
        %select_n3A_304 = arith.select %and3A_302, %add3A_303, %rem3A_294 : i32
        %mul3A_305 = arith.constant 256 : i32
        %mul3A_306 = arith.muli %select_n3A_304, %mul3A_305 : i32
        %dma_wait3A = tpu.memref_slice %arg3[%select_n3A_288, %mul3A_306] : memref<50x1024xi32, #tpu.memory_space<hbm>> -> memref<1x256xi32, #tpu.memory_space<hbm>>
        %dma_wait3A_307 = tpu.memref_squeeze %dma_wait3A : memref<1x256xi32, #tpu.memory_space<hbm>> -> memref<256xi32, #tpu.memory_space<hbm>>
        %dma_wait3A_308 = tpu.memref_slice %arg3[%select_n3A_288, %mul3A_306] : memref<50x1024xi32, #tpu.memory_space<hbm>> -> memref<1x256xi32, #tpu.memory_space<hbm>>
        %dma_wait3A_309 = tpu.memref_squeeze %dma_wait3A_308 : memref<1x256xi32, #tpu.memory_space<hbm>> -> memref<256xi32, #tpu.memory_space<hbm>>
        tpu.wait_dma2 semaphore(%arg13 : memref<!tpu.dma_semaphore, #tpu.memory_space<semaphore_mem>>) src(%dma_wait3A_309 : memref<256xi32, #tpu.memory_space<hbm>>) dst(%arg6 : memref<256xi32, #tpu.memory_space<vmem>>)
        %ge3A = arith.constant 2 : i32
        %ge3A_310 = arith.cmpi sge, %while3A_202, %ge3A : i32
        %convert_element_type3A_311 = arith.extui %ge3A_310 : i1 to i32
        %cond3A_312 = arith.constant 0 : i32
        %cond3A_313 = arith.cmpi ne, %convert_element_type3A_311, %cond3A_312 : i32
        scf.if %cond3A_313 {
          %sub3A_358 = arith.constant 64 : i32
          %sub3A_359 = arith.subi %add3A_219, %sub3A_358 : i32
          %jit3A_360 = arith.constant 4 : i32
          %div3A_361 = arith.divsi %sub3A_359, %jit3A_360 : i32
          %sign3A_362 = arith.constant 0 : i32
          %sign3A_363 = arith.cmpi sgt, %sub3A_359, %sign3A_362 : i32
          %sign3A_364 = arith.extui %sign3A_363 : i1 to i32
          %sign3A_365 = arith.constant 0 : i32
          %sign3A_366 = arith.cmpi slt, %sub3A_359, %sign3A_365 : i32
          %sign3A_367 = arith.extui %sign3A_366 : i1 to i32
          %sign3A_368 = arith.subi %sign3A_364, %sign3A_367 : i32
          %sign3A_369 = arith.constant 0 : i32
          %sign3A_370 = arith.cmpi sgt, %jit3A_360, %sign3A_369 : i32
          %sign3A_371 = arith.extui %sign3A_370 : i1 to i32
          %sign3A_372 = arith.constant 0 : i32
          %sign3A_373 = arith.cmpi slt, %jit3A_360, %sign3A_372 : i32
          %sign3A_374 = arith.extui %sign3A_373 : i1 to i32
          %sign3A_375 = arith.subi %sign3A_371, %sign3A_374 : i32
          %ne3A_376 = arith.cmpi ne, %sign3A_368, %sign3A_375 : i32
          %rem3A_377 = arith.remsi %sub3A_359, %jit3A_360 : i32
          %ne3A_378 = arith.constant 0 : i32
          %ne3A_379 = arith.cmpi ne, %rem3A_377, %ne3A_378 : i32
          %and3A_380 = arith.andi %ne3A_376, %ne3A_379 : i1
          %sub3A_381 = arith.constant 1 : i32
          %sub3A_382 = arith.subi %div3A_361, %sub3A_381 : i32
          %select_n3A_383 = arith.select %and3A_380, %sub3A_382, %div3A_361 : i32
          %jit3A_384 = arith.constant 4 : i32
          %eq3A_385 = arith.constant 0 : i32
          %eq3A_386 = arith.cmpi eq, %jit3A_384, %eq3A_385 : i32
          %jit3A_387 = arith.constant 1 : i32
          %select_n3A_388 = arith.select %eq3A_386, %jit3A_387, %jit3A_384 : i32
          %rem3A_389 = arith.remsi %sub3A_359, %select_n3A_388 : i32
          %ne3A_390 = arith.constant 0 : i32
          %ne3A_391 = arith.cmpi ne, %rem3A_389, %ne3A_390 : i32
          %lt3A_392 = arith.constant 0 : i32
          %lt3A_393 = arith.cmpi slt, %rem3A_389, %lt3A_392 : i32
          %lt3A_394 = arith.constant 0 : i32
          %lt3A_395 = arith.cmpi slt, %select_n3A_388, %lt3A_394 : i32
          %ne3A_396 = arith.xori %lt3A_393, %lt3A_395 : i1
          %and3A_397 = arith.andi %ne3A_396, %ne3A_391 : i1
          %add3A_398 = arith.addi %rem3A_389, %select_n3A_388 : i32
          %select_n3A_399 = arith.select %and3A_397, %add3A_398, %rem3A_389 : i32
          %mul3A_400 = arith.constant 256 : i32
          %mul3A_401 = arith.muli %select_n3A_399, %mul3A_400 : i32
          %dma_wait3A_402 = arith.constant 0 : i32
          %dma_wait3A_403 = tpu.memref_slice %arg4[%select_n3A_383, %mul3A_401, %dma_wait3A_402] : memref<50x1024x128xf32, #tpu.memory_space<hbm>> -> memref<1x256x128xf32, #tpu.memory_space<hbm>>
          %dma_wait3A_404 = tpu.memref_squeeze %dma_wait3A_403 : memref<1x256x128xf32, #tpu.memory_space<hbm>> -> memref<256x128xf32, #tpu.memory_space<hbm>>
          %dma_wait3A_405 = arith.constant 0 : i32
          %dma_wait3A_406 = tpu.memref_slice %arg4[%select_n3A_383, %mul3A_401, %dma_wait3A_405] : memref<50x1024x128xf32, #tpu.memory_space<hbm>> -> memref<1x256x128xf32, #tpu.memory_space<hbm>>
          %dma_wait3A_407 = tpu.memref_squeeze %dma_wait3A_406 : memref<1x256x128xf32, #tpu.memory_space<hbm>> -> memref<256x128xf32, #tpu.memory_space<hbm>>
          tpu.wait_dma2 semaphore(%arg12 : memref<!tpu.dma_semaphore, #tpu.memory_space<semaphore_mem>>) src(%arg8 : memref<256x128xf32, #tpu.memory_space<vmem>>) dst(%dma_wait3A_407 : memref<256x128xf32, #tpu.memory_space<hbm>>)
        } else {
        }
        %dma_start3A_314 = arith.constant 0 : i32
        %dma_start3A_315 = arith.constant 0 : i32
        %dma_start3A_316 = tpu.memref_slice %arg8[%dma_start3A_314, %dma_start3A_315] : memref<256x128xf32, #tpu.memory_space<vmem>> -> memref<128x128xf32, #tpu.memory_space<vmem>>
        %dma_start3A_317 = arith.constant 0 : i32
        %dma_start3A_318 = tpu.memref_slice %arg6[%dma_start3A_317] : memref<256xi32, #tpu.memory_space<vmem>> -> memref<128xi32, #tpu.memory_space<vmem>>
        %dma_start3A_319 = arith.constant 0 : i32
        %dma_start3A_320 = arith.constant 0 : i32
        %dma_start3A_321 = tpu.memref_slice %arg9[%dma_start3A_319, %dma_start3A_320] : memref<200x128xf32, #tpu.memory_space<vmem_shared>> -> memref<200x128xf32, #tpu.memory_space<vmem_shared>>
        tpu.enqueue_indirect_dma source(%dma_start3A_321 : memref<200x128xf32, #tpu.memory_space<vmem_shared>>) target(%dma_start3A_316 : memref<128x128xf32, #tpu.memory_space<vmem>>) offsets(%dma_start3A_318 : memref<128xi32, #tpu.memory_space<vmem>>) semaphore(%arg10 : memref<!tpu.dma_semaphore, #tpu.memory_space<semaphore_mem>>)
        %dma_start3A_322 = arith.constant 128 : i32
        %dma_start3A_323 = arith.constant 0 : i32
        %dma_start3A_324 = tpu.memref_slice %arg8[%dma_start3A_322, %dma_start3A_323] : memref<256x128xf32, #tpu.memory_space<vmem>> -> memref<128x128xf32, #tpu.memory_space<vmem>>
        %dma_start3A_325 = arith.constant 128 : i32
        %dma_start3A_326 = tpu.memref_slice %arg6[%dma_start3A_325] : memref<256xi32, #tpu.memory_space<vmem>> -> memref<128xi32, #tpu.memory_space<vmem>>
        %dma_start3A_327 = arith.constant 0 : i32
        %dma_start3A_328 = arith.constant 0 : i32
        %dma_start3A_329 = tpu.memref_slice %arg9[%dma_start3A_327, %dma_start3A_328] : memref<200x128xf32, #tpu.memory_space<vmem_shared>> -> memref<200x128xf32, #tpu.memory_space<vmem_shared>>
        tpu.enqueue_indirect_dma source(%dma_start3A_329 : memref<200x128xf32, #tpu.memory_space<vmem_shared>>) target(%dma_start3A_324 : memref<128x128xf32, #tpu.memory_space<vmem>>) offsets(%dma_start3A_326 : memref<128xi32, #tpu.memory_space<vmem>>) semaphore(%arg10 : memref<!tpu.dma_semaphore, #tpu.memory_space<semaphore_mem>>)
        %add3A_330 = arith.constant 1 : i32
        %add3A_331 = arith.addi %while3A_202, %add3A_330 : i32
        %lt3A_332 = arith.cmpi slt, %add3A_331, %select_n3A : i32
        %convert_element_type3A_333 = arith.extui %lt3A_332 : i1 to i32
        %cond3A_334 = arith.constant 0 : i32
        %cond3A_335 = arith.cmpi ne, %convert_element_type3A_333, %cond3A_334 : i32
        scf.if %cond3A_335 {
          %add3A_358 = arith.constant 1 : i32
          %add3A_359 = arith.addi %while3A_202, %add3A_358 : i32
          %mul3A_360 = arith.constant 32 : i32
          %mul3A_361 = arith.muli %add3A_359, %mul3A_360 : i32
          %add3A_362 = arith.addi %add3A, %mul3A_361 : i32
          %jit3A_363 = arith.constant 4 : i32
          %div3A_364 = arith.divsi %add3A_362, %jit3A_363 : i32
          %sign3A_365 = arith.constant 0 : i32
          %sign3A_366 = arith.cmpi sgt, %add3A_362, %sign3A_365 : i32
          %sign3A_367 = arith.extui %sign3A_366 : i1 to i32
          %sign3A_368 = arith.constant 0 : i32
          %sign3A_369 = arith.cmpi slt, %add3A_362, %sign3A_368 : i32
          %sign3A_370 = arith.extui %sign3A_369 : i1 to i32
          %sign3A_371 = arith.subi %sign3A_367, %sign3A_370 : i32
          %sign3A_372 = arith.constant 0 : i32
          %sign3A_373 = arith.cmpi sgt, %jit3A_363, %sign3A_372 : i32
          %sign3A_374 = arith.extui %sign3A_373 : i1 to i32
          %sign3A_375 = arith.constant 0 : i32
          %sign3A_376 = arith.cmpi slt, %jit3A_363, %sign3A_375 : i32
          %sign3A_377 = arith.extui %sign3A_376 : i1 to i32
          %sign3A_378 = arith.subi %sign3A_374, %sign3A_377 : i32
          %ne3A_379 = arith.cmpi ne, %sign3A_371, %sign3A_378 : i32
          %rem3A_380 = arith.remsi %add3A_362, %jit3A_363 : i32
          %ne3A_381 = arith.constant 0 : i32
          %ne3A_382 = arith.cmpi ne, %rem3A_380, %ne3A_381 : i32
          %and3A_383 = arith.andi %ne3A_379, %ne3A_382 : i1
          %sub3A_384 = arith.constant 1 : i32
          %sub3A_385 = arith.subi %div3A_364, %sub3A_384 : i32
          %select_n3A_386 = arith.select %and3A_383, %sub3A_385, %div3A_364 : i32
          %jit3A_387 = arith.constant 4 : i32
          %eq3A_388 = arith.constant 0 : i32
          %eq3A_389 = arith.cmpi eq, %jit3A_387, %eq3A_388 : i32
          %jit3A_390 = arith.constant 1 : i32
          %select_n3A_391 = arith.select %eq3A_389, %jit3A_390, %jit3A_387 : i32
          %rem3A_392 = arith.remsi %add3A_362, %select_n3A_391 : i32
          %ne3A_393 = arith.constant 0 : i32
          %ne3A_394 = arith.cmpi ne, %rem3A_392, %ne3A_393 : i32
          %lt3A_395 = arith.constant 0 : i32
          %lt3A_396 = arith.cmpi slt, %rem3A_392, %lt3A_395 : i32
          %lt3A_397 = arith.constant 0 : i32
          %lt3A_398 = arith.cmpi slt, %select_n3A_391, %lt3A_397 : i32
          %ne3A_399 = arith.xori %lt3A_396, %lt3A_398 : i1
          %and3A_400 = arith.andi %ne3A_399, %ne3A_394 : i1
          %add3A_401 = arith.addi %rem3A_392, %select_n3A_391 : i32
          %select_n3A_402 = arith.select %and3A_400, %add3A_401, %rem3A_392 : i32
          %mul3A_403 = arith.constant 256 : i32
          %mul3A_404 = arith.muli %select_n3A_402, %mul3A_403 : i32
          %dma_start3A_405 = tpu.memref_slice %arg3[%select_n3A_386, %mul3A_404] : memref<50x1024xi32, #tpu.memory_space<hbm>> -> memref<1x256xi32, #tpu.memory_space<hbm>>
          %dma_start3A_406 = tpu.memref_squeeze %dma_start3A_405 : memref<1x256xi32, #tpu.memory_space<hbm>> -> memref<256xi32, #tpu.memory_space<hbm>>
          %dma_start3A_407 = tpu.memref_slice %arg3[%select_n3A_386, %mul3A_404] : memref<50x1024xi32, #tpu.memory_space<hbm>> -> memref<1x256xi32, #tpu.memory_space<hbm>>
          %dma_start3A_408 = tpu.memref_squeeze %dma_start3A_407 : memref<1x256xi32, #tpu.memory_space<hbm>> -> memref<256xi32, #tpu.memory_space<hbm>>
          tpu.enqueue_dma source(%dma_start3A_408 : memref<256xi32, #tpu.memory_space<hbm>>) target(%arg5 : memref<256xi32, #tpu.memory_space<vmem>>) target_semaphore(%arg13 : memref<!tpu.dma_semaphore, #tpu.memory_space<semaphore_mem>>)
        } else {
        }
        %dma_wait3A_336 = arith.constant 0 : i32
        %dma_wait3A_337 = arith.constant 0 : i32
        %dma_wait3A_338 = tpu.memref_slice %arg8[%dma_wait3A_336, %dma_wait3A_337] : memref<256x128xf32, #tpu.memory_space<vmem>> -> memref<128x128xf32, #tpu.memory_space<vmem>>
        %dma_wait3A_339 = arith.constant 0 : i32
        %dma_wait3A_340 = tpu.memref_slice %arg6[%dma_wait3A_339] : memref<256xi32, #tpu.memory_space<vmem>> -> memref<128xi32, #tpu.memory_space<vmem>>
        %dma_wait3A_341 = arith.constant 0 : i32
        %dma_wait3A_342 = arith.constant 0 : i32
        %dma_wait3A_343 = tpu.memref_slice %arg9[%dma_wait3A_341, %dma_wait3A_342] : memref<200x128xf32, #tpu.memory_space<vmem_shared>> -> memref<200x128xf32, #tpu.memory_space<vmem_shared>>
        tpu.wait_indirect_dma semaphore(%arg10 : memref<!tpu.dma_semaphore, #tpu.memory_space<semaphore_mem>>) src(%dma_wait3A_343 : memref<200x128xf32, #tpu.memory_space<vmem_shared>>) dst(%dma_wait3A_338 : memref<128x128xf32, #tpu.memory_space<vmem>>)
        %dma_wait3A_344 = arith.constant 128 : i32
        %dma_wait3A_345 = arith.constant 0 : i32
        %dma_wait3A_346 = tpu.memref_slice %arg8[%dma_wait3A_344, %dma_wait3A_345] : memref<256x128xf32, #tpu.memory_space<vmem>> -> memref<128x128xf32, #tpu.memory_space<vmem>>
        %dma_wait3A_347 = arith.constant 128 : i32
        %dma_wait3A_348 = tpu.memref_slice %arg6[%dma_wait3A_347] : memref<256xi32, #tpu.memory_space<vmem>> -> memref<128xi32, #tpu.memory_space<vmem>>
        %dma_wait3A_349 = arith.constant 0 : i32
        %dma_wait3A_350 = arith.constant 0 : i32
        %dma_wait3A_351 = tpu.memref_slice %arg9[%dma_wait3A_349, %dma_wait3A_350] : memref<200x128xf32, #tpu.memory_space<vmem_shared>> -> memref<200x128xf32, #tpu.memory_space<vmem_shared>>
        tpu.wait_indirect_dma semaphore(%arg10 : memref<!tpu.dma_semaphore, #tpu.memory_space<semaphore_mem>>) src(%dma_wait3A_351 : memref<200x128xf32, #tpu.memory_space<vmem_shared>>) dst(%dma_wait3A_346 : memref<128x128xf32, #tpu.memory_space<vmem>>)
        %dma_start3A_352 = arith.constant 0 : i32
        %dma_start3A_353 = tpu.memref_slice %arg4[%select_n3A_243, %mul3A_261, %dma_start3A_352] : memref<50x1024x128xf32, #tpu.memory_space<hbm>> -> memref<1x256x128xf32, #tpu.memory_space<hbm>>
        %dma_start3A_354 = tpu.memref_squeeze %dma_start3A_353 : memref<1x256x128xf32, #tpu.memory_space<hbm>> -> memref<256x128xf32, #tpu.memory_space<hbm>>
        %dma_start3A_355 = arith.constant 0 : i32
        %dma_start3A_356 = tpu.memref_slice %arg4[%select_n3A_243, %mul3A_261, %dma_start3A_355] : memref<50x1024x128xf32, #tpu.memory_space<hbm>> -> memref<1x256x128xf32, #tpu.memory_space<hbm>>
        %dma_start3A_357 = tpu.memref_squeeze %dma_start3A_356 : memref<1x256x128xf32, #tpu.memory_space<hbm>> -> memref<256x128xf32, #tpu.memory_space<hbm>>
        tpu.enqueue_dma source(%arg8 : memref<256x128xf32, #tpu.memory_space<vmem>>) target(%dma_start3A_357 : memref<256x128xf32, #tpu.memory_space<hbm>>) target_semaphore(%arg12 : memref<!tpu.dma_semaphore, #tpu.memory_space<semaphore_mem>>)
      } else {
      }
    }
    %sub3A_80 = arith.constant 2 : i32
    %sub3A_81 = arith.subi %select_n3A, %sub3A_80 : i32
    %mul3A_82 = arith.constant 32 : i32
    %mul3A_83 = arith.muli %sub3A_81, %mul3A_82 : i32
    %add3A_84 = arith.addi %add3A, %mul3A_83 : i32
    %jit3A_85 = arith.constant 4 : i32
    %div3A_86 = arith.divsi %add3A_84, %jit3A_85 : i32
    %sign3A_87 = arith.constant 0 : i32
    %sign3A_88 = arith.cmpi sgt, %add3A_84, %sign3A_87 : i32
    %sign3A_89 = arith.extui %sign3A_88 : i1 to i32
    %sign3A_90 = arith.constant 0 : i32
    %sign3A_91 = arith.cmpi slt, %add3A_84, %sign3A_90 : i32
    %sign3A_92 = arith.extui %sign3A_91 : i1 to i32
    %sign3A_93 = arith.subi %sign3A_89, %sign3A_92 : i32
    %sign3A_94 = arith.constant 0 : i32
    %sign3A_95 = arith.cmpi sgt, %jit3A_85, %sign3A_94 : i32
    %sign3A_96 = arith.extui %sign3A_95 : i1 to i32
    %sign3A_97 = arith.constant 0 : i32
    %sign3A_98 = arith.cmpi slt, %jit3A_85, %sign3A_97 : i32
    %sign3A_99 = arith.extui %sign3A_98 : i1 to i32
    %sign3A_100 = arith.subi %sign3A_96, %sign3A_99 : i32
    %ne3A_101 = arith.cmpi ne, %sign3A_93, %sign3A_100 : i32
    %rem3A_102 = arith.remsi %add3A_84, %jit3A_85 : i32
    %ne3A_103 = arith.constant 0 : i32
    %ne3A_104 = arith.cmpi ne, %rem3A_102, %ne3A_103 : i32
    %and3A_105 = arith.andi %ne3A_101, %ne3A_104 : i1
    %sub3A_106 = arith.constant 1 : i32
    %sub3A_107 = arith.subi %div3A_86, %sub3A_106 : i32
    %select_n3A_108 = arith.select %and3A_105, %sub3A_107, %div3A_86 : i32
    %jit3A_109 = arith.constant 4 : i32
    %eq3A_110 = arith.constant 0 : i32
    %eq3A_111 = arith.cmpi eq, %jit3A_109, %eq3A_110 : i32
    %jit3A_112 = arith.constant 1 : i32
    %select_n3A_113 = arith.select %eq3A_111, %jit3A_112, %jit3A_109 : i32
    %rem3A_114 = arith.remsi %add3A_84, %select_n3A_113 : i32
    %ne3A_115 = arith.constant 0 : i32
    %ne3A_116 = arith.cmpi ne, %rem3A_114, %ne3A_115 : i32
    %lt3A_117 = arith.constant 0 : i32
    %lt3A_118 = arith.cmpi slt, %rem3A_114, %lt3A_117 : i32
    %lt3A_119 = arith.constant 0 : i32
    %lt3A_120 = arith.cmpi slt, %select_n3A_113, %lt3A_119 : i32
    %ne3A_121 = arith.xori %lt3A_118, %lt3A_120 : i1
    %and3A_122 = arith.andi %ne3A_121, %ne3A_116 : i1
    %add3A_123 = arith.addi %rem3A_114, %select_n3A_113 : i32
    %select_n3A_124 = arith.select %and3A_122, %add3A_123, %rem3A_114 : i32
    %mul3A_125 = arith.constant 256 : i32
    %mul3A_126 = arith.muli %select_n3A_124, %mul3A_125 : i32
    %and3A_127 = arith.constant 1 : i32
    %and3A_128 = arith.andi %sub3A_81, %and3A_127 : i32
    %eq3A_129 = arith.constant 0 : i32
    %eq3A_130 = arith.cmpi eq, %and3A_128, %eq3A_129 : i32
    %convert_element_type3A_131 = arith.extui %eq3A_130 : i1 to i32
    %cond3A_132 = arith.constant 0 : i32
    %cond3A_133 = arith.cmpi ne, %convert_element_type3A_131, %cond3A_132 : i32
    scf.if %cond3A_133 {
      %dma_wait3A = arith.constant 0 : i32
      %dma_wait3A_202 = tpu.memref_slice %arg4[%select_n3A_108, %mul3A_126, %dma_wait3A] : memref<50x1024x128xf32, #tpu.memory_space<hbm>> -> memref<1x256x128xf32, #tpu.memory_space<hbm>>
      %dma_wait3A_203 = tpu.memref_squeeze %dma_wait3A_202 : memref<1x256x128xf32, #tpu.memory_space<hbm>> -> memref<256x128xf32, #tpu.memory_space<hbm>>
      %dma_wait3A_204 = arith.constant 0 : i32
      %dma_wait3A_205 = tpu.memref_slice %arg4[%select_n3A_108, %mul3A_126, %dma_wait3A_204] : memref<50x1024x128xf32, #tpu.memory_space<hbm>> -> memref<1x256x128xf32, #tpu.memory_space<hbm>>
      %dma_wait3A_206 = tpu.memref_squeeze %dma_wait3A_205 : memref<1x256x128xf32, #tpu.memory_space<hbm>> -> memref<256x128xf32, #tpu.memory_space<hbm>>
      tpu.wait_dma2 semaphore(%arg11 : memref<!tpu.dma_semaphore, #tpu.memory_space<semaphore_mem>>) src(%arg7 : memref<256x128xf32, #tpu.memory_space<vmem>>) dst(%dma_wait3A_206 : memref<256x128xf32, #tpu.memory_space<hbm>>)
    } else {
    }
    %and3A_134 = arith.constant 1 : i32
    %and3A_135 = arith.andi %sub3A_81, %and3A_134 : i32
    %eq3A_136 = arith.constant 1 : i32
    %eq3A_137 = arith.cmpi eq, %and3A_135, %eq3A_136 : i32
    %convert_element_type3A_138 = arith.extui %eq3A_137 : i1 to i32
    %cond3A_139 = arith.constant 0 : i32
    %cond3A_140 = arith.cmpi ne, %convert_element_type3A_138, %cond3A_139 : i32
    scf.if %cond3A_140 {
      %dma_wait3A = arith.constant 0 : i32
      %dma_wait3A_202 = tpu.memref_slice %arg4[%select_n3A_108, %mul3A_126, %dma_wait3A] : memref<50x1024x128xf32, #tpu.memory_space<hbm>> -> memref<1x256x128xf32, #tpu.memory_space<hbm>>
      %dma_wait3A_203 = tpu.memref_squeeze %dma_wait3A_202 : memref<1x256x128xf32, #tpu.memory_space<hbm>> -> memref<256x128xf32, #tpu.memory_space<hbm>>
      %dma_wait3A_204 = arith.constant 0 : i32
      %dma_wait3A_205 = tpu.memref_slice %arg4[%select_n3A_108, %mul3A_126, %dma_wait3A_204] : memref<50x1024x128xf32, #tpu.memory_space<hbm>> -> memref<1x256x128xf32, #tpu.memory_space<hbm>>
      %dma_wait3A_206 = tpu.memref_squeeze %dma_wait3A_205 : memref<1x256x128xf32, #tpu.memory_space<hbm>> -> memref<256x128xf32, #tpu.memory_space<hbm>>
      tpu.wait_dma2 semaphore(%arg12 : memref<!tpu.dma_semaphore, #tpu.memory_space<semaphore_mem>>) src(%arg8 : memref<256x128xf32, #tpu.memory_space<vmem>>) dst(%dma_wait3A_206 : memref<256x128xf32, #tpu.memory_space<hbm>>)
    } else {
    }
    %sub3A_141 = arith.constant 1 : i32
    %sub3A_142 = arith.subi %select_n3A, %sub3A_141 : i32
    %mul3A_143 = arith.constant 32 : i32
    %mul3A_144 = arith.muli %sub3A_142, %mul3A_143 : i32
    %add3A_145 = arith.addi %add3A, %mul3A_144 : i32
    %jit3A_146 = arith.constant 4 : i32
    %div3A_147 = arith.divsi %add3A_145, %jit3A_146 : i32
    %sign3A_148 = arith.constant 0 : i32
    %sign3A_149 = arith.cmpi sgt, %add3A_145, %sign3A_148 : i32
    %sign3A_150 = arith.extui %sign3A_149 : i1 to i32
    %sign3A_151 = arith.constant 0 : i32
    %sign3A_152 = arith.cmpi slt, %add3A_145, %sign3A_151 : i32
    %sign3A_153 = arith.extui %sign3A_152 : i1 to i32
    %sign3A_154 = arith.subi %sign3A_150, %sign3A_153 : i32
    %sign3A_155 = arith.constant 0 : i32
    %sign3A_156 = arith.cmpi sgt, %jit3A_146, %sign3A_155 : i32
    %sign3A_157 = arith.extui %sign3A_156 : i1 to i32
    %sign3A_158 = arith.constant 0 : i32
    %sign3A_159 = arith.cmpi slt, %jit3A_146, %sign3A_158 : i32
    %sign3A_160 = arith.extui %sign3A_159 : i1 to i32
    %sign3A_161 = arith.subi %sign3A_157, %sign3A_160 : i32
    %ne3A_162 = arith.cmpi ne, %sign3A_154, %sign3A_161 : i32
    %rem3A_163 = arith.remsi %add3A_145, %jit3A_146 : i32
    %ne3A_164 = arith.constant 0 : i32
    %ne3A_165 = arith.cmpi ne, %rem3A_163, %ne3A_164 : i32
    %and3A_166 = arith.andi %ne3A_162, %ne3A_165 : i1
    %sub3A_167 = arith.constant 1 : i32
    %sub3A_168 = arith.subi %div3A_147, %sub3A_167 : i32
    %select_n3A_169 = arith.select %and3A_166, %sub3A_168, %div3A_147 : i32
    %jit3A_170 = arith.constant 4 : i32
    %eq3A_171 = arith.constant 0 : i32
    %eq3A_172 = arith.cmpi eq, %jit3A_170, %eq3A_171 : i32
    %jit3A_173 = arith.constant 1 : i32
    %select_n3A_174 = arith.select %eq3A_172, %jit3A_173, %jit3A_170 : i32
    %rem3A_175 = arith.remsi %add3A_145, %select_n3A_174 : i32
    %ne3A_176 = arith.constant 0 : i32
    %ne3A_177 = arith.cmpi ne, %rem3A_175, %ne3A_176 : i32
    %lt3A_178 = arith.constant 0 : i32
    %lt3A_179 = arith.cmpi slt, %rem3A_175, %lt3A_178 : i32
    %lt3A_180 = arith.constant 0 : i32
    %lt3A_181 = arith.cmpi slt, %select_n3A_174, %lt3A_180 : i32
    %ne3A_182 = arith.xori %lt3A_179, %lt3A_181 : i1
    %and3A_183 = arith.andi %ne3A_182, %ne3A_177 : i1
    %add3A_184 = arith.addi %rem3A_175, %select_n3A_174 : i32
    %select_n3A_185 = arith.select %and3A_183, %add3A_184, %rem3A_175 : i32
    %mul3A_186 = arith.constant 256 : i32
    %mul3A_187 = arith.muli %select_n3A_185, %mul3A_186 : i32
    %and3A_188 = arith.constant 1 : i32
    %and3A_189 = arith.andi %sub3A_142, %and3A_188 : i32
    %eq3A_190 = arith.constant 0 : i32
    %eq3A_191 = arith.cmpi eq, %and3A_189, %eq3A_190 : i32
    %convert_element_type3A_192 = arith.extui %eq3A_191 : i1 to i32
    %cond3A_193 = arith.constant 0 : i32
    %cond3A_194 = arith.cmpi ne, %convert_element_type3A_192, %cond3A_193 : i32
    scf.if %cond3A_194 {
      %dma_wait3A = arith.constant 0 : i32
      %dma_wait3A_202 = tpu.memref_slice %arg4[%select_n3A_169, %mul3A_187, %dma_wait3A] : memref<50x1024x128xf32, #tpu.memory_space<hbm>> -> memref<1x256x128xf32, #tpu.memory_space<hbm>>
      %dma_wait3A_203 = tpu.memref_squeeze %dma_wait3A_202 : memref<1x256x128xf32, #tpu.memory_space<hbm>> -> memref<256x128xf32, #tpu.memory_space<hbm>>
      %dma_wait3A_204 = arith.constant 0 : i32
      %dma_wait3A_205 = tpu.memref_slice %arg4[%select_n3A_169, %mul3A_187, %dma_wait3A_204] : memref<50x1024x128xf32, #tpu.memory_space<hbm>> -> memref<1x256x128xf32, #tpu.memory_space<hbm>>
      %dma_wait3A_206 = tpu.memref_squeeze %dma_wait3A_205 : memref<1x256x128xf32, #tpu.memory_space<hbm>> -> memref<256x128xf32, #tpu.memory_space<hbm>>
      tpu.wait_dma2 semaphore(%arg11 : memref<!tpu.dma_semaphore, #tpu.memory_space<semaphore_mem>>) src(%arg7 : memref<256x128xf32, #tpu.memory_space<vmem>>) dst(%dma_wait3A_206 : memref<256x128xf32, #tpu.memory_space<hbm>>)
    } else {
    }
    %and3A_195 = arith.constant 1 : i32
    %and3A_196 = arith.andi %sub3A_142, %and3A_195 : i32
    %eq3A_197 = arith.constant 1 : i32
    %eq3A_198 = arith.cmpi eq, %and3A_196, %eq3A_197 : i32
    %convert_element_type3A_199 = arith.extui %eq3A_198 : i1 to i32
    %cond3A_200 = arith.constant 0 : i32
    %cond3A_201 = arith.cmpi ne, %convert_element_type3A_199, %cond3A_200 : i32
    scf.if %cond3A_201 {
      %dma_wait3A = arith.constant 0 : i32
      %dma_wait3A_202 = tpu.memref_slice %arg4[%select_n3A_169, %mul3A_187, %dma_wait3A] : memref<50x1024x128xf32, #tpu.memory_space<hbm>> -> memref<1x256x128xf32, #tpu.memory_space<hbm>>
      %dma_wait3A_203 = tpu.memref_squeeze %dma_wait3A_202 : memref<1x256x128xf32, #tpu.memory_space<hbm>> -> memref<256x128xf32, #tpu.memory_space<hbm>>
      %dma_wait3A_204 = arith.constant 0 : i32
      %dma_wait3A_205 = tpu.memref_slice %arg4[%select_n3A_169, %mul3A_187, %dma_wait3A_204] : memref<50x1024x128xf32, #tpu.memory_space<hbm>> -> memref<1x256x128xf32, #tpu.memory_space<hbm>>
      %dma_wait3A_206 = tpu.memref_squeeze %dma_wait3A_205 : memref<1x256x128xf32, #tpu.memory_space<hbm>> -> memref<256x128xf32, #tpu.memory_space<hbm>>
      tpu.wait_dma2 semaphore(%arg12 : memref<!tpu.dma_semaphore, #tpu.memory_space<semaphore_mem>>) src(%arg8 : memref<256x128xf32, #tpu.memory_space<vmem>>) dst(%dma_wait3A_206 : memref<256x128xf32, #tpu.memory_space<hbm>>)
    } else {
    }
    return
  }
}

module attributes {stable_mosaic.version = 14 : i64} {
  func.func @_table_kernel(%arg0: memref<200xi32, #tpu.memory_space<vmem>>, %arg1: memref<50x16xf32, #tpu.memory_space<vmem>>, %arg2: memref<16x512xf32, #tpu.memory_space<vmem>>, %arg3: memref<512xf32, #tpu.memory_space<vmem>>, %arg4: memref<512x128xf32, #tpu.memory_space<vmem>>, %arg5: memref<128xf32, #tpu.memory_space<vmem>>, %arg6: memref<50x32xf32, #tpu.memory_space<vmem>>, %arg7: memref<32x512xf32, #tpu.memory_space<vmem>>, %arg8: memref<512xf32, #tpu.memory_space<vmem>>, %arg9: memref<512x128xf32, #tpu.memory_space<vmem>>, %arg10: memref<128xf32, #tpu.memory_space<vmem>>, %arg11: memref<50x64xf32, #tpu.memory_space<vmem>>, %arg12: memref<64x512xf32, #tpu.memory_space<vmem>>, %arg13: memref<512xf32, #tpu.memory_space<vmem>>, %arg14: memref<512x128xf32, #tpu.memory_space<vmem>>, %arg15: memref<128xf32, #tpu.memory_space<vmem>>, %arg16: memref<50x128xf32, #tpu.memory_space<vmem>>, %arg17: memref<128x512xf32, #tpu.memory_space<vmem>>, %arg18: memref<512xf32, #tpu.memory_space<vmem>>, %arg19: memref<512x128xf32, #tpu.memory_space<vmem>>, %arg20: memref<128xf32, #tpu.memory_space<vmem>>, %arg21: memref<200x128xf32, #tpu.memory_space<vmem>>) attributes {dimension_semantics = [], scalar_prefetch = 0 : i64, scratch_operands = 0 : i64, tpu.core_type = #tpu.core_type<tc>} {
    %get3A = arith.constant 0 : index
    %get3A_0 = vector.load %arg0[%get3A] : memref<200xi32, #tpu.memory_space<vmem>>, vector<200xi32>
    %broadcast_in_dim3A = vector.shape_cast %get3A_0 : vector<200xi32> to vector<200x1xi32>
    %broadcast_in_dim3A_1 = arith.constant 0.000000e+00 : f32
    %broadcast_in_dim3A_2 = vector.broadcast %broadcast_in_dim3A_1 : f32 to vector<200x128xf32>
    %get3A_3 = arith.constant 0 : index
    %get3A_4 = arith.constant 0 : index
    %get3A_5 = vector.load %arg1[%get3A_3, %get3A_4] : memref<50x16xf32, #tpu.memory_space<vmem>>, vector<50x16xf32>
    %get3A_6 = arith.constant 0 : index
    %get3A_7 = arith.constant 0 : index
    %get3A_8 = vector.load %arg2[%get3A_6, %get3A_7] : memref<16x512xf32, #tpu.memory_space<vmem>>, vector<16x512xf32>
    %get3A_9 = arith.constant 0 : index
    %get3A_10 = vector.load %arg3[%get3A_9] : memref<512xf32, #tpu.memory_space<vmem>>, vector<512xf32>
    %get3A_11 = arith.constant 0 : index
    %get3A_12 = arith.constant 0 : index
    %get3A_13 = vector.load %arg4[%get3A_11, %get3A_12] : memref<512x128xf32, #tpu.memory_space<vmem>>, vector<512x128xf32>
    %get3A_14 = arith.constant 0 : index
    %get3A_15 = vector.load %arg5[%get3A_14] : memref<128xf32, #tpu.memory_space<vmem>>, vector<128xf32>
    %dot_general3A = arith.constant dense<0.000000e+00> : vector<50x512xf32>
    %dot_general3A_16 = tpu.matmul %get3A_5, %get3A_8, %dot_general3A {dimension_numbers = #tpu.dot_dimension_numbers<[1], [0], [0], [1], [0, 0, 1, 1], [], []>, transpose_lhs_hint = false} : vector<50x16xf32>, vector<16x512xf32>, vector<50x512xf32> -> vector<50x512xf32>
    %broadcast_in_dim3A_17 = vector.shape_cast %get3A_10 : vector<512xf32> to vector<1x512xf32>
    %add3A = vector.broadcast %broadcast_in_dim3A_17 : vector<1x512xf32> to vector<50x512xf32>
    %add3A_18 = arith.addf %dot_general3A_16, %add3A : vector<50x512xf32>
    %max3A = arith.constant 0.000000e+00 : f32
    %max3A_19 = vector.broadcast %max3A : f32 to vector<50x512xf32>
    %max3A_20 = arith.maximumf %add3A_18, %max3A_19 : vector<50x512xf32>
    %dot_general3A_21 = arith.constant dense<0.000000e+00> : vector<50x128xf32>
    %dot_general3A_22 = tpu.matmul %max3A_20, %get3A_13, %dot_general3A_21 {dimension_numbers = #tpu.dot_dimension_numbers<[1], [0], [0], [1], [0, 0, 1, 1], [], []>, transpose_lhs_hint = false} : vector<50x512xf32>, vector<512x128xf32>, vector<50x128xf32> -> vector<50x128xf32>
    %broadcast_in_dim3A_23 = vector.shape_cast %get3A_15 : vector<128xf32> to vector<1x128xf32>
    %add3A_24 = vector.broadcast %broadcast_in_dim3A_23 : vector<1x128xf32> to vector<50x128xf32>
    %add3A_25 = arith.addf %dot_general3A_22, %add3A_24 : vector<50x128xf32>
    %iota3A = tpu.iota {dimensions = array<i32: 1>} : vector<200x50xi32>
    %add3A_26 = arith.constant 0 : i32
    %add3A_27 = vector.broadcast %add3A_26 : i32 to vector<200x50xi32>
    %add3A_28 = arith.addi %iota3A, %add3A_27 : vector<200x50xi32>
    %eq3A = vector.broadcast %broadcast_in_dim3A : vector<200x1xi32> to vector<200x50xi32>
    %eq3A_29 = arith.cmpi eq, %eq3A, %add3A_28 : vector<200x50xi32>
    %convert_element_type3A = arith.extui %eq3A_29 : vector<200x50xi1> to vector<200x50xi32>
    %convert_element_type3A_30 = arith.sitofp %convert_element_type3A : vector<200x50xi32> to vector<200x50xf32>
    %dot_general3A_31 = arith.constant dense<0.000000e+00> : vector<200x128xf32>
    %dot_general3A_32 = tpu.matmul %convert_element_type3A_30, %add3A_25, %dot_general3A_31 {dimension_numbers = #tpu.dot_dimension_numbers<[1], [0], [0], [1], [0, 0, 1, 1], [], []>, transpose_lhs_hint = false} : vector<200x50xf32>, vector<50x128xf32>, vector<200x128xf32> -> vector<200x128xf32>
    %add3A_33 = arith.addf %broadcast_in_dim3A_2, %dot_general3A_32 : vector<200x128xf32>
    %get3A_34 = arith.constant 0 : index
    %get3A_35 = arith.constant 0 : index
    %get3A_36 = vector.load %arg6[%get3A_34, %get3A_35] : memref<50x32xf32, #tpu.memory_space<vmem>>, vector<50x32xf32>
    %get3A_37 = arith.constant 0 : index
    %get3A_38 = arith.constant 0 : index
    %get3A_39 = vector.load %arg7[%get3A_37, %get3A_38] : memref<32x512xf32, #tpu.memory_space<vmem>>, vector<32x512xf32>
    %get3A_40 = arith.constant 0 : index
    %get3A_41 = vector.load %arg8[%get3A_40] : memref<512xf32, #tpu.memory_space<vmem>>, vector<512xf32>
    %get3A_42 = arith.constant 0 : index
    %get3A_43 = arith.constant 0 : index
    %get3A_44 = vector.load %arg9[%get3A_42, %get3A_43] : memref<512x128xf32, #tpu.memory_space<vmem>>, vector<512x128xf32>
    %get3A_45 = arith.constant 0 : index
    %get3A_46 = vector.load %arg10[%get3A_45] : memref<128xf32, #tpu.memory_space<vmem>>, vector<128xf32>
    %dot_general3A_47 = arith.constant dense<0.000000e+00> : vector<50x512xf32>
    %dot_general3A_48 = tpu.matmul %get3A_36, %get3A_39, %dot_general3A_47 {dimension_numbers = #tpu.dot_dimension_numbers<[1], [0], [0], [1], [0, 0, 1, 1], [], []>, transpose_lhs_hint = false} : vector<50x32xf32>, vector<32x512xf32>, vector<50x512xf32> -> vector<50x512xf32>
    %broadcast_in_dim3A_49 = vector.shape_cast %get3A_41 : vector<512xf32> to vector<1x512xf32>
    %add3A_50 = vector.broadcast %broadcast_in_dim3A_49 : vector<1x512xf32> to vector<50x512xf32>
    %add3A_51 = arith.addf %dot_general3A_48, %add3A_50 : vector<50x512xf32>
    %max3A_52 = arith.constant 0.000000e+00 : f32
    %max3A_53 = vector.broadcast %max3A_52 : f32 to vector<50x512xf32>
    %max3A_54 = arith.maximumf %add3A_51, %max3A_53 : vector<50x512xf32>
    %dot_general3A_55 = arith.constant dense<0.000000e+00> : vector<50x128xf32>
    %dot_general3A_56 = tpu.matmul %max3A_54, %get3A_44, %dot_general3A_55 {dimension_numbers = #tpu.dot_dimension_numbers<[1], [0], [0], [1], [0, 0, 1, 1], [], []>, transpose_lhs_hint = false} : vector<50x512xf32>, vector<512x128xf32>, vector<50x128xf32> -> vector<50x128xf32>
    %broadcast_in_dim3A_57 = vector.shape_cast %get3A_46 : vector<128xf32> to vector<1x128xf32>
    %add3A_58 = vector.broadcast %broadcast_in_dim3A_57 : vector<1x128xf32> to vector<50x128xf32>
    %add3A_59 = arith.addf %dot_general3A_56, %add3A_58 : vector<50x128xf32>
    %iota3A_60 = tpu.iota {dimensions = array<i32: 1>} : vector<200x50xi32>
    %add3A_61 = arith.constant 50 : i32
    %add3A_62 = vector.broadcast %add3A_61 : i32 to vector<200x50xi32>
    %add3A_63 = arith.addi %iota3A_60, %add3A_62 : vector<200x50xi32>
    %eq3A_64 = vector.broadcast %broadcast_in_dim3A : vector<200x1xi32> to vector<200x50xi32>
    %eq3A_65 = arith.cmpi eq, %eq3A_64, %add3A_63 : vector<200x50xi32>
    %convert_element_type3A_66 = arith.extui %eq3A_65 : vector<200x50xi1> to vector<200x50xi32>
    %convert_element_type3A_67 = arith.sitofp %convert_element_type3A_66 : vector<200x50xi32> to vector<200x50xf32>
    %dot_general3A_68 = arith.constant dense<0.000000e+00> : vector<200x128xf32>
    %dot_general3A_69 = tpu.matmul %convert_element_type3A_67, %add3A_59, %dot_general3A_68 {dimension_numbers = #tpu.dot_dimension_numbers<[1], [0], [0], [1], [0, 0, 1, 1], [], []>, transpose_lhs_hint = false} : vector<200x50xf32>, vector<50x128xf32>, vector<200x128xf32> -> vector<200x128xf32>
    %add3A_70 = arith.addf %add3A_33, %dot_general3A_69 : vector<200x128xf32>
    %get3A_71 = arith.constant 0 : index
    %get3A_72 = arith.constant 0 : index
    %get3A_73 = vector.load %arg11[%get3A_71, %get3A_72] : memref<50x64xf32, #tpu.memory_space<vmem>>, vector<50x64xf32>
    %get3A_74 = arith.constant 0 : index
    %get3A_75 = arith.constant 0 : index
    %get3A_76 = vector.load %arg12[%get3A_74, %get3A_75] : memref<64x512xf32, #tpu.memory_space<vmem>>, vector<64x512xf32>
    %get3A_77 = arith.constant 0 : index
    %get3A_78 = vector.load %arg13[%get3A_77] : memref<512xf32, #tpu.memory_space<vmem>>, vector<512xf32>
    %get3A_79 = arith.constant 0 : index
    %get3A_80 = arith.constant 0 : index
    %get3A_81 = vector.load %arg14[%get3A_79, %get3A_80] : memref<512x128xf32, #tpu.memory_space<vmem>>, vector<512x128xf32>
    %get3A_82 = arith.constant 0 : index
    %get3A_83 = vector.load %arg15[%get3A_82] : memref<128xf32, #tpu.memory_space<vmem>>, vector<128xf32>
    %dot_general3A_84 = arith.constant dense<0.000000e+00> : vector<50x512xf32>
    %dot_general3A_85 = tpu.matmul %get3A_73, %get3A_76, %dot_general3A_84 {dimension_numbers = #tpu.dot_dimension_numbers<[1], [0], [0], [1], [0, 0, 1, 1], [], []>, transpose_lhs_hint = false} : vector<50x64xf32>, vector<64x512xf32>, vector<50x512xf32> -> vector<50x512xf32>
    %broadcast_in_dim3A_86 = vector.shape_cast %get3A_78 : vector<512xf32> to vector<1x512xf32>
    %add3A_87 = vector.broadcast %broadcast_in_dim3A_86 : vector<1x512xf32> to vector<50x512xf32>
    %add3A_88 = arith.addf %dot_general3A_85, %add3A_87 : vector<50x512xf32>
    %max3A_89 = arith.constant 0.000000e+00 : f32
    %max3A_90 = vector.broadcast %max3A_89 : f32 to vector<50x512xf32>
    %max3A_91 = arith.maximumf %add3A_88, %max3A_90 : vector<50x512xf32>
    %dot_general3A_92 = arith.constant dense<0.000000e+00> : vector<50x128xf32>
    %dot_general3A_93 = tpu.matmul %max3A_91, %get3A_81, %dot_general3A_92 {dimension_numbers = #tpu.dot_dimension_numbers<[1], [0], [0], [1], [0, 0, 1, 1], [], []>, transpose_lhs_hint = false} : vector<50x512xf32>, vector<512x128xf32>, vector<50x128xf32> -> vector<50x128xf32>
    %broadcast_in_dim3A_94 = vector.shape_cast %get3A_83 : vector<128xf32> to vector<1x128xf32>
    %add3A_95 = vector.broadcast %broadcast_in_dim3A_94 : vector<1x128xf32> to vector<50x128xf32>
    %add3A_96 = arith.addf %dot_general3A_93, %add3A_95 : vector<50x128xf32>
    %iota3A_97 = tpu.iota {dimensions = array<i32: 1>} : vector<200x50xi32>
    %add3A_98 = arith.constant 100 : i32
    %add3A_99 = vector.broadcast %add3A_98 : i32 to vector<200x50xi32>
    %add3A_100 = arith.addi %iota3A_97, %add3A_99 : vector<200x50xi32>
    %eq3A_101 = vector.broadcast %broadcast_in_dim3A : vector<200x1xi32> to vector<200x50xi32>
    %eq3A_102 = arith.cmpi eq, %eq3A_101, %add3A_100 : vector<200x50xi32>
    %convert_element_type3A_103 = arith.extui %eq3A_102 : vector<200x50xi1> to vector<200x50xi32>
    %convert_element_type3A_104 = arith.sitofp %convert_element_type3A_103 : vector<200x50xi32> to vector<200x50xf32>
    %dot_general3A_105 = arith.constant dense<0.000000e+00> : vector<200x128xf32>
    %dot_general3A_106 = tpu.matmul %convert_element_type3A_104, %add3A_96, %dot_general3A_105 {dimension_numbers = #tpu.dot_dimension_numbers<[1], [0], [0], [1], [0, 0, 1, 1], [], []>, transpose_lhs_hint = false} : vector<200x50xf32>, vector<50x128xf32>, vector<200x128xf32> -> vector<200x128xf32>
    %add3A_107 = arith.addf %add3A_70, %dot_general3A_106 : vector<200x128xf32>
    %get3A_108 = arith.constant 0 : index
    %get3A_109 = arith.constant 0 : index
    %get3A_110 = vector.load %arg16[%get3A_108, %get3A_109] : memref<50x128xf32, #tpu.memory_space<vmem>>, vector<50x128xf32>
    %get3A_111 = arith.constant 0 : index
    %get3A_112 = arith.constant 0 : index
    %get3A_113 = vector.load %arg17[%get3A_111, %get3A_112] : memref<128x512xf32, #tpu.memory_space<vmem>>, vector<128x512xf32>
    %get3A_114 = arith.constant 0 : index
    %get3A_115 = vector.load %arg18[%get3A_114] : memref<512xf32, #tpu.memory_space<vmem>>, vector<512xf32>
    %get3A_116 = arith.constant 0 : index
    %get3A_117 = arith.constant 0 : index
    %get3A_118 = vector.load %arg19[%get3A_116, %get3A_117] : memref<512x128xf32, #tpu.memory_space<vmem>>, vector<512x128xf32>
    %get3A_119 = arith.constant 0 : index
    %get3A_120 = vector.load %arg20[%get3A_119] : memref<128xf32, #tpu.memory_space<vmem>>, vector<128xf32>
    %dot_general3A_121 = arith.constant dense<0.000000e+00> : vector<50x512xf32>
    %dot_general3A_122 = tpu.matmul %get3A_110, %get3A_113, %dot_general3A_121 {dimension_numbers = #tpu.dot_dimension_numbers<[1], [0], [0], [1], [0, 0, 1, 1], [], []>, transpose_lhs_hint = false} : vector<50x128xf32>, vector<128x512xf32>, vector<50x512xf32> -> vector<50x512xf32>
    %broadcast_in_dim3A_123 = vector.shape_cast %get3A_115 : vector<512xf32> to vector<1x512xf32>
    %add3A_124 = vector.broadcast %broadcast_in_dim3A_123 : vector<1x512xf32> to vector<50x512xf32>
    %add3A_125 = arith.addf %dot_general3A_122, %add3A_124 : vector<50x512xf32>
    %max3A_126 = arith.constant 0.000000e+00 : f32
    %max3A_127 = vector.broadcast %max3A_126 : f32 to vector<50x512xf32>
    %max3A_128 = arith.maximumf %add3A_125, %max3A_127 : vector<50x512xf32>
    %dot_general3A_129 = arith.constant dense<0.000000e+00> : vector<50x128xf32>
    %dot_general3A_130 = tpu.matmul %max3A_128, %get3A_118, %dot_general3A_129 {dimension_numbers = #tpu.dot_dimension_numbers<[1], [0], [0], [1], [0, 0, 1, 1], [], []>, transpose_lhs_hint = false} : vector<50x512xf32>, vector<512x128xf32>, vector<50x128xf32> -> vector<50x128xf32>
    %broadcast_in_dim3A_131 = vector.shape_cast %get3A_120 : vector<128xf32> to vector<1x128xf32>
    %add3A_132 = vector.broadcast %broadcast_in_dim3A_131 : vector<1x128xf32> to vector<50x128xf32>
    %add3A_133 = arith.addf %dot_general3A_130, %add3A_132 : vector<50x128xf32>
    %iota3A_134 = tpu.iota {dimensions = array<i32: 1>} : vector<200x50xi32>
    %add3A_135 = arith.constant 150 : i32
    %add3A_136 = vector.broadcast %add3A_135 : i32 to vector<200x50xi32>
    %add3A_137 = arith.addi %iota3A_134, %add3A_136 : vector<200x50xi32>
    %eq3A_138 = vector.broadcast %broadcast_in_dim3A : vector<200x1xi32> to vector<200x50xi32>
    %eq3A_139 = arith.cmpi eq, %eq3A_138, %add3A_137 : vector<200x50xi32>
    %convert_element_type3A_140 = arith.extui %eq3A_139 : vector<200x50xi1> to vector<200x50xi32>
    %convert_element_type3A_141 = arith.sitofp %convert_element_type3A_140 : vector<200x50xi32> to vector<200x50xf32>
    %dot_general3A_142 = arith.constant dense<0.000000e+00> : vector<200x128xf32>
    %dot_general3A_143 = tpu.matmul %convert_element_type3A_141, %add3A_133, %dot_general3A_142 {dimension_numbers = #tpu.dot_dimension_numbers<[1], [0], [0], [1], [0, 0, 1, 1], [], []>, transpose_lhs_hint = false} : vector<200x50xf32>, vector<50x128xf32>, vector<200x128xf32> -> vector<200x128xf32>
    %add3A_144 = arith.addf %add3A_107, %dot_general3A_143 : vector<200x128xf32>
    %swap3A = arith.constant 0 : index
    %swap3A_145 = arith.constant 0 : index
    %swap3A_146 = vector.load %arg21[%swap3A, %swap3A_145] : memref<200x128xf32, #tpu.memory_space<vmem>>, vector<200x128xf32>
    tpu.vector_store %arg21[%swap3A, %swap3A_145], %add3A_144 {strides = array<i32>} : memref<200x128xf32, #tpu.memory_space<vmem>>, vector<200x128xf32>,
    return
  }
}

</mosaic_0001>

<sc_bundles>
// kernel: kernel.4.cloned.1.call-start
scs
__scs_entry_jumppad:
0x0: {  	(pc) =	sbr.rel $0x88, $3  }
0x1: {  	(tag) =	ssettag $0x0;
	lr =	simm.s32 $0x1  }
0x2: {  	[smem:$0x3F8B] =	sst lr;
	_ =	strace $0xD0000000  }
0x3: {  	_ = 	snop  }
0x4: {  	_ = 	snop  }
0x5: {  	_ = 	snop  }
0x6: {  	_ = 	snop  }
0x7: {  	_ = 	snop  }
__scs_overlays_trampoline_lowered:
0x8: {  	[smem:$0x3F9A] =	sst s0  }
0x9: {  	[smem:$0x3F9B] =	sst s1  }
0xa: {  	[smem:$0x3F9C] =	sst s2  }
0xb: {  	[smem:$0x3F9D] =	sst s3  }
0xc: {  	[smem:$0x3F9E] =	sst s4  }
0xd: {  	[smem:$0x3F9F] =	sst s5  }
0xe: {  	[smem:$0x3FA0] =	sst s6  }
0xf: {  	[smem:$0x3FA1] =	sst s7  }
0x10: {  	[smem:$0x3FA2] =	sst s8  }
0x11: {  	[smem:$0x3FA3] =	sst s9;
	s0 =	simm.s32 @!p0 $0x0  }
0x12: {  	s1 =	sld [smem:$0x3F89];
	s0 =	simm.s32 @p0 $0x1  }
0x13: {  	[smem:$0x3FA4] =	sst s0;
	s0 =	simm.s32 @!p1 $0x0  }
0x14: {  	s2 =	sld [smem:$0x3F88];
	s0 =	simm.s32 @p1 $0x1  }
0x15: {  	[smem:$0x3FA5] =	sst s0;
	s0 =	simm.s32 @!p2 $0x0  }
0x16: {  	s3 =	sld [smem:$0x3FDB];
	s0 =	simm.s32 @p2 $0x1  }
0x17: {  	s4 =	simm.s32 $0x1BF5;
	[smem:$0x3FA7] =	sst s0  }
0x18: {  	s0 =	sld [smem:$0x3F8A];
	_ =	swait.ge [sflag:s4], $0x0  }
0x19: {  	s7 =	sld [smem:$0x3F8B]  }
0x1a: {  	s8 =	sadd.s32 $0xFFFFE003, lr  }
0x1b: {  	s9 =	sadd.s32 $0xFFFFFEF7, lr;
	s5 =	simm.s32 $0xFFFFFFFF;
	p2 =	slt.u32 s8, $0xFFFFF086  }
0x1c: {  	p1 =	slt.u32 s9, $0xF7A;
	s5 =	simm.s32 @!p2 $0x0  }
0x1d: {  	s5 =	simm.s32 @p1 $0x1;
	p0 =	seq.s32 s7, s2  }
0x1e: {  	s7 =	smul.u32 @!p0 $0xF7A, s2;
	p2 =	seq.s32 @!p0 s5, $0x0  }
0x1f: {  	s9 =	smul.u32 $0xF7A, s1;
	s8 =	simm.s32 @!p0 $0x1BF5;
	p2 =	por !p2, p0  }
0x20: {  	[sflag:s8] =	ssyncset.s32 @!p0 $0xFFFFF086;
	s6 =	sadd.s32 @!p0 s3, s7;
	s7 =	simm.s32 @!p0 $0x108  }
0x21: {  	s3 =	sadd.s32 s3, s9;
	s6 =	sadd.s32 @!p0 $0x88, s6;
	s7 =	simm.s32 @p2 $0x1082  }
0x22: {  	[simem:s7], [sflag:s8] =	dma.local @!p0 [hbm:s6], $0xF7A  }
0x23: {  	s9 =	sor.u32 $0xD0000000, s2;
	s6 =	simm.s32 $0x108;
	_ =	swait.ge @!p0 [sflag:s8], $0x0  }
0x24: {  	s3 =	sadd.s32 $0x88, s3;
	s6 =	simm.s32 @!p1 $0x1082;
	[sflag:s4] =	ssyncset.s32 $0xFFFFF086  }
0x25: {  	[simem:s6], [sflag:s4] =	dma.local [hbm:s3], $0xF7A  }
0x26: {  	[smem:$0x3F8B] =	sst s1;
	(tag) =	ssettag s2;
	_ =	strace s9  }
0x27: {  	s1 =	sld [smem:$0x3F9B]  }
0x28: {  	s2 =	sld [smem:$0x3F9C]  }
0x29: {  	s4 =	sld [smem:$0x3F9E]  }
0x2a: {  	p0 =	seq.s32 s5, $0x0;
	s5 =	sld [smem:$0x3F9F]  }
0x2b: {  	s6 =	sld [smem:$0x3FA0]  }
0x2c: {  	s7 =	sld [smem:$0x3FA1]  }
0x2d: {  	s3 =	simm.s32 $0x108;
	s8 =	sld [smem:$0x3FA2]  }
0x2e: {  	s3 =	simm.s32 @!p0 $0x1082;
	s9 =	sld [smem:$0x3FA3]  }
0x2f: {  	lr =	sadd.s32 s0, s3;
	s0 =	sld [smem:$0x3F9A]  }
0x30: {  	s3 =	sld [smem:$0x3F9D]  }
0x31: {  	[smem:$0x3FA6] =	sst s10  }
0x32: {  	s10 =	sld [smem:$0x3FA4];
	_ =	sdelay $0x3  }
0x33: {  	p0 =	seq.s32 s10, $0x1;
	s10 =	sld [smem:$0x3FA6];
	_ =	sdelay $0x3  }
0x34: {  	[smem:$0x3FA6] =	sst s10  }
0x35: {  	s10 =	sld [smem:$0x3FA5];
	_ =	sdelay $0x3  }
0x36: {  	p1 =	seq.s32 s10, $0x1;
	s10 =	sld [smem:$0x3FA6];
	_ =	sdelay $0x3  }
0x37: {  	[smem:$0x3FA6] =	sst s10  }
0x38: {  	s10 =	sld [smem:$0x3FA7]  }
0x39: {  	_ = 	snop;
	(pc) =	sbr.ind lr, $3  }
0x3a: {  	_ = 	snop  }
0x3b: {  	_ = 	snop  }
0x3c: {  	p2 =	seq.s32 s10, $0x1;
	s10 =	sld [smem:$0x3FA6]  }
0x3d: {  	_ =	shalt  }
0x3e: {  	_ =	shalt  }
0x3f: {  	_ =	shalt  }
0x40: {  	_ =	shalt  }
0x41: {  	_ =	shalt  }
0x42: {  	_ =	shalt  }
0x43: {  	_ =	shalt  }
0x44: {  	_ =	shalt  }
0x45: {  	_ =	shalt  }
0x46: {  	_ =	shalt  }
0x47: {  	_ =	shalt  }
0x48: {  	_ =	shalt  }
0x49: {  	_ =	shalt  }
0x4a: {  	_ =	shalt  }
0x4b: {  	_ =	shalt  }
0x4c: {  	_ =	shalt  }
0x4d: {  	_ =	shalt  }
0x4e: {  	_ =	shalt  }
0x4f: {  	_ =	shalt  }
0x50: {  	_ =	shalt  }
0x51: {  	_ =	shalt  }
0x52: {  	_ =	shalt  }
0x53: {  	_ =	shalt  }
0x54: {  	_ =	shalt  }
0x55: {  	_ =	shalt  }
0x56: {  	_ =	shalt  }
0x57: {  	_ =	shalt  }
0x58: {  	_ =	shalt  }
0x59: {  	_ =	shalt  }
0x5a: {  	_ =	shalt  }
0x5b: {  	_ =	shalt  }
0x5c: {  	_ =	shalt  }
0x5d: {  	_ =	shalt  }
0x5e: {  	_ =	shalt  }
0x5f: {  	_ =	shalt  }
0x60: {  	_ =	shalt  }
0x61: {  	_ =	shalt  }
0x62: {  	_ =	shalt  }
0x63: {  	_ =	shalt  }
0x64: {  	_ =	shalt  }
0x65: {  	_ =	shalt  }
0x66: {  	_ =	shalt  }
0x67: {  	_ =	shalt  }
0x68: {  	_ =	shalt  }
0x69: {  	_ =	shalt  }
0x6a: {  	_ =	shalt  }
0x6b: {  	_ =	shalt  }
0x6c: {  	_ =	shalt  }
0x6d: {  	_ =	shalt  }
0x6e: {  	_ =	shalt  }
0x6f: {  	_ =	shalt  }
0x70: {  	_ =	shalt  }
0x71: {  	_ =	shalt  }
0x72: {  	_ =	shalt  }
0x73: {  	_ =	shalt  }
0x74: {  	_ =	shalt  }
0x75: {  	_ =	shalt  }
0x76: {  	_ =	shalt  }
0x77: {  	_ =	shalt  }
0x78: {  	_ =	shalt  }
0x79: {  	_ =	shalt  }
0x7a: {  	_ =	shalt  }
0x7b: {  	_ =	shalt  }
0x7c: {  	_ =	shalt  }
0x7d: {  	_ =	shalt  }
0x7e: {  	_ =	shalt  }
0x7f: {  	_ =	shalt  }
0x80: {  	_ =	shalt  }
0x81: {  	_ =	shalt  }
0x82: {  	_ =	shalt  }
0x83: {  	_ =	shalt  }
0x84: {  	_ =	shalt  }
0x85: {  	_ =	shalt  }
0x86: {  	_ =	shalt  }
0x87: {  	_ =	shalt  }
.Lfunc_end0:
.L_simem_size_0:
called_computation_lowered:
.L_overlay_start_0:
0x88: {  	s2 =	sld [smem:$0x3FD9]  }
0x89: {  	s3 =	sld [smem:$0x3FFE];
	_ =	sdelay $0x1  }
0x8a: {  	s1 =	srdreg.scid  }
0x8b: {  	s0 =	sand.u32 $0x1, s1  }
0x8c: {  	s17 =	sshll.u32 s0, $0xA;
	s2 =	sadd.s32 s3, s2  }
0x8d: {  	s2 =	sadd.s32 s2, s17  }
0x8e: {  	[smem:$0x3FB2] =	sst s2  }
0x8f: {  	_ = 	snop  }
0x90: {  	s2 =	sld [smem:$0x3FC9]  }
0x91: {  	s18 =	sld [smem:$0x3FD0];
	(tm) =	ssettm $0x1  }
0x92: {  	s4 =	sld [smem:$0x3FFB];
	_ =	sdelay $0x3  }
0x93: {  	_ =	strace s4  }
0x94: {  	s4 =	sld [smem:$0x3FFC];
	_ =	sdelay $0x3  }
0x95: {  	_ =	strace s4  }
0x96: {  	s4 =	sld [smem:$0x3FFD];
	_ =	sdelay $0x3  }
0x97: {  	_ =	strace s4  }
0x98: {  	_ =	strace $0x8FFFFFFF  }
0x99: {  	s19 =	sld [smem:$0x3FDB];
	_ =	sdelay $0x1  }
0x9a: {  	s5 =	simm.s32 $_scs_section_size  }
0x9b: {  	s6 =	simm.s32 $_size__tile_overlayer_lowered;
	s7 =	simm.s32 $_tile_overlayer_lowered  }
0x9c: {  	s22 =	simm.s32 $0x1BFF;
	s21 =	sshll.u32 s7, $0x1;
	s4 =	sadd.s32 s5, s19  }
0x9d: {  	s8 =	simm.s32 $0x0;
	s20 =	sshll.u32 s6, $0x1;
	s6 =	sadd.s32 s21, s4  }
0x9e: {  	[timem:s8], [sflag:s22] =	dma.local [hbm:s6], s20  }
0x9f: {  	_ =	swait.ge [sflag:s22], s20  }
0xa0: {  	s5 =	ssub.s32 $0x0, s20;
	[sflag:s22] =	ssyncset.done $0x0  }
0xa1: {  	[sflag:s22] =	ssyncadd.s32 s5;
	_ =	sdelay $0x1  }
0xa2: {  	s23 =	simm.s32 $0x1B8B  }
0xa3: {  	_ =	swait.ge [sflag:s23], $0x1  }
0xa4: {  	[sflag:s23] =	ssyncset.done $0x0  }
0xa5: {  	s25 =	simm.s32 $0x1B8E;
	s24 =	sld [smem:$0x3FFE];
	[sflag:s23] =	ssyncadd.s32 $0xFFFFFFFF  }
0xa6: {  	s26 =	simm.s32 $execute0_lowered;
	[smem:$0x3FD2] =	sst s25  }
0xa7: {  	s6 =	sshll.u32 s26, $0x1;
	_ =	strace $0x80000046;
	[dreg:$0x1] =	wrdreg $0xFFFFFFFF  }
0xa8: {  	s28 =	simm.s32 $_size_execute0_lowered;
	s4 =	sadd.s32 s4, s6;
	[dreg:$0x0] =	wrdreg $0x0  }
0xa9: {  	s6 =	sshll.u32 s28, $0x1;
	[dreg:$0x2] =	wrdreg s4  }
0xaa: {  	[dreg:$0x3] =	wrdreg s6  }
0xab: {  	[dreg:$0x4] =	wrdreg $0xC0  }
0xac: {  	_ =	task [dreg:s8], $0x5FFFF  }
0xad: {  	[dreg:$0x1] =	wrdreg $0xFFFFFFFF  }
0xae: {  	[dreg:$0x0] =	wrdreg $0x60  }
0xaf: {  	[dreg:$0x2] =	wrdreg s24  }
0xb0: {  	[dreg:$0x3] =	wrdreg s2  }
0xb1: {  	[dreg:$0x4] =	wrdreg s18  }
0xb2: {  	[dreg:$0x5] =	wrdreg $0x102000  }
0xb3: {  	[dreg:$0x6] =	wrdreg $0x9  }
0xb4: {  	_ =	task.clear_ibuf [dreg:s8], $0x7FFFF;
	_ =	strace $0x90000046  }
0xb5: {  	s29 =	simm.s32 $0x9;
	_ =	strace $0x80000048  }
0xb6: {  	_ =	swait.ge [sflag:s29], $0x1  }
0xb7: {  	[sflag:s29] =	ssyncadd.s32 $0xFFFFFFFF  }
0xb8: {  	_ =	strace $0x90000048  }
0xb9: {  	_ =	sfence  }
0xba: {  	s30 =	sld [smem:$0x0];
	_ =	sdelay $0x2  }
0xbb: {  	s31 =	sshll.u32 s1, $0xD;
	s1 =	sshrl.u32 s1, $0x2  }
0xbc: {  	s3 =	sand.u32 $0x4000, s31;
	s1 =	sadd.s32 s1, s30  }
0xbd: {  	s0 =	sor.u32 s3, s0;
	s1 =	sshll.u32 s1, $0x11  }
0xbe: {  	s0 =	sor.u32 s1, s0  }
0xbf: {  	s0 =	sadd.s32 $0x8F2B, s0  }
0xc0: {  	[sflag:s0] =	ssyncadd.remote.s32 $0x1  }
0xc1: {  	_ =	sfence.sel $0xFFFF  }
0xc2: {  	[dreg:$0x0] =	wrdreg $0xFFFFFFFF;
	(pc) =	sbr.abs _section_cstart, $3  }
0xc3: {  	[dreg:$0x1] =	wrdreg $0xFFFFFFFF  }
0xc4: {  	_ =	task.clear_ibuf [dreg:s8], $0x2FFFF;
	_ =	strace $0x9FFFFFFF  }
0xc5: {  	(tm) =	ssettm $0x7FFFFFFF  }
tec
execute0_lowered:
.L_overlay_start_1:
0x0: {  	(tag) =	ssettag $0x1  }
0x1: {  	s5 =	rddreg [dreg:$0x0]  }
0x2: {  	s1 =	rddreg [dreg:$0x1]  }
0x3: {  	s2 =	rddreg [dreg:$0x2]  }
0x4: {  	s3 =	rddreg [dreg:$0x3]  }
0x5: {  	s4 =	simm.s32 $0x0;
	s6 =	srdreg.scid;
	s14 =	stileid.u32  }
0x6: {  	s17 =	simm.s32 $0x1;
	s18 =	simm.s32 $0x4;
	s19 =	simm.s32 $0x100  }
0x7: {  	s20 =	simm.s32 $0x8200;
	s21 =	simm.s32 $0x180;
	s22 =	simm.s32 $0xC200  }
0x8: {  	s23 =	simm.s32 $0x200;
	s24 =	simm.s32 $0x4200;
	[smem:$0x7FF] =	sst s4  }
0x9: {  	s7 =	sand.u32 $0x1, s6;
	s0 =	sadd.s32 $0x2C00, s5;
	s6 =	sshll.u32 s14, $0x1  }
0xa: {  	s8 =	sshll.u32 s14, $0x3;
	_ =	strace $0x80000047;
	[dreg:$0x5] =	wrdreg s0  }
0xb: {  	s9 =	ssub.s32 $0x2, s7;
	s7 =	sor.u32 s7, s6;
	s13 =	sand.u32 $0x70, s8  }
0xc: {  	s10 =	sshrl.u32 s9, $0x1;
	s11 =	ssub.s32 $0xE7, s7;
	s12 =	sshll.u32 s7, $0x8  }
0xd: {  	s26 =	sadd.s32 s1, s13;
	s31 =	sshll.u32 s7, $0xB;
	s13 =	simm.s32 $0x2  }
0xe: {  	s8 =	sshrl.u32 s11, $0x5;
	s25 =	sand.u32 $0x300, s12;
	s10 =	ssub.s32 s9, s10  }
.Ltmp0:
0xf: {  	s11 =	sand.u32 $0x1800, s31;
	s12 =	simm.s32 $0x3;
	(pc) =	sbr.rel .LBB2_1-.Ltmp0, $4  }
0x10: {  	s28 =	sadd.s32 s25, s26;
	s29 =	sand.u32 $0x1, s8;
	s30 =	smax.u32 s10, $0x1  }
0x11: {  	s25 =	simm.s32 $0x0;
	[dreg:$0x6] =	wrdreg s28;
	p0 =	seq.s32 s29, $0x1  }
0x12: {  	s12 =	simm.s32 @!p0 $0x2;
	s13 =	simm.s32 @!p0 $0x3;
	p0 =	sne.s32 s14, $0x0  }
0x13: {  	[dreg:$0x7] =	wrdreg s30;
	s14 =	simm.s32 $0x80;
	s16 =	sshrl.u32 @!p0 s3, $0x3  }
.LBB2_7:
0x14: {  	_ =	swait.ge [sflag:s12], $0x8000  }
0x15: {  	[sflag:s12] =	ssyncset.done $0x0  }
0x16: {  	[sflag:s12] =	ssyncadd.s32 $0xFFFF8000  }
0x17: {  	_ =	swait.ge [sflag:s13], $0x8000  }
0x18: {  	s25 =	sadd.s32 $0x1, s25;
	s0 =	rddreg [dreg:$0x7]  }
0x19: {  	p1 =	sne.s32 s25, s0  }
.Ltmp1:
0x1a: {  	_ = 	snop;
	(pc) =	sbr.rel @!p1 .LBB2_8-.Ltmp1, $3  }
0x1b: {  	_ =	sdelay $0x1  }
0x1c: {  	[sflag:s13] =	ssyncset.done $0x0  }
0x1d: {  	[sflag:s13] =	ssyncadd.s32 $0xFFFF8000  }
.LBB2_1:
0x1e: {  	s0 =	rddreg [dreg:$0x6];
	s5 =	simm.s32 $0x400  }
0x1f: {  	[tilespmem:s4], [sflag:$0x4] =	stream.strided.gather [hbm4b:s0+s14], $0x100, s5, s14, $0x38;
	[tilespmem:$0x10840] =	vst v63  }
0x20: {  	s26 =	simm.s32 @!p0 $0x1C05;
	s0 =	rddreg [dreg:$0x5]  }
0x21: {  	[spmem:s16], [sflag:s26] =	dma.local @!p0 [hbm:s0], $0xC80  }
0x22: {  	s26 =	simm.s32 @!p0 $0x5  }
.Ltmp2:
0x23: {  	_ =	swait.ge @!p0 [sflag:s26], $0xC80;
	(pc) =	sbr.rel .LBB2_2-.Ltmp2, $4  }
0x24: {  	[sflag:s26] =	ssyncset.done @!p0 $0x0  }
0x25: {  	[sflag:s26] =	ssyncadd.s32 @!p0 $0xFFFFF380  }
0x26: {  	[bflag:$0x0] =	sbarrier.arrive $0xFFFF  }
0x27: {  	s29 =	simm.s32 $0x0  }
.LBB2_3:
0x28: {  	s30 =	sand.u32 $0xFFFFFFFC, s30  }
0x29: {  	s31 =	ssub.s32 s28, s30  }
.LBB2_5:
0x2a: {  	_ =	swait.ge [sflag:s18], $0x100  }
0x2b: {  	p1 =	slt.u32 s29, $0x2;
	[sflag:s18] =	ssyncset.done $0x0  }
0x2c: {  	s0 =	simm.s32 @!p1 $0x3;
	[sflag:s18] =	ssyncadd.s32 $0xFFFFFF00  }
0x2d: {  	_ =	swait.ge @!p1 [sflag:s0], $0x8000  }
0x2e: {  	s30 =	sadd.s32 $0x1, s29;
	[sflag:s0] =	ssyncset.done @!p1 $0x0  }
0x2f: {  	[sflag:s0] =	ssyncadd.s32 @!p1 $0xFFFF8000;
	p1 =	sge.u32 s30, s8  }
0x30: {  	[tilespmem:s20], [sflag:$0x1] =	stream.indirect.gather [spmem:s3], $0x80, s19, s14, $0xb8;
	[tilespmem:$0x10840] =	vst v63  }
0x31: {  	s0 =	sshll.u32 @!p1 s30, $0xD;
	s5 =	sshll.u32 @!p1 s6, $0x5  }
0x32: {  	s0 =	sor.u32 @!p1 s5, s0  }
0x33: {  	[tilespmem:s22], [sflag:$0x1] =	stream.indirect.gather [spmem:s3], $0x80, s21, s14, $0xb8;
	[tilespmem:$0x10840] =	vst v63  }
0x34: {  	s0 =	sand.u32 @!p1 $0x7FFFE380, s0  }
0x35: {  	p2 =	slt.s32 s28, $0x1;
	p3 =	sne.s32 s31, $0x0;
	s0 =	sor.u32 @!p1 s11, s0  }
0x36: {  	p2 =	por !p2, !p3;
	s9 =	simm.s32 @!p1 $0x400;
	s0 =	sshrl.u32 @!p1 s0, $0x3  }
0x37: {  	s10 =	simm.s32 @!p1 $0x0;
	s5 =	simm.s32 @!p1 $0x80;
	s0 =	sadd.s32 @!p1 s1, s0  }
0x38: {  	[tilespmem:s10], [sflag:$0x4] =	stream.strided.gather @!p1 [hbm4b:s0+s5], $0x100, s9, s5, $0x38;
	[tilespmem:$0x10840] =	vst v63  }
0x39: {  	p1 =	por !p2, !p2;
	s0 =	simm.s32 $0x1  }
0x3a: {  	s0 =	simm.s32 @!p1 $0x0;
	_ =	swait.ge [sflag:s17], $0x4000  }
0x3b: {  	s31 =	sshll.u32 s31, $0xF;
	s0 =	ssub.s32 s26, s0;
	[sflag:s17] =	ssyncset.done $0x0  }
0x3c: {  	s5 =	sand.u32 $0x18000, s31;
	[sflag:s17] =	ssyncadd.s32 $0xFFFFC000;
	s0 =	sshll.u32 s0, $0x11  }
0x3d: {  	_ =	swait.ge [sflag:s17], $0x4000;
	s0 =	sor.u32 s5, s0  }
0x3e: {  	[sflag:s17] =	ssyncset.done $0x0;
	s0 =	sshrl.u32 s0, $0x3  }
0x3f: {  	[sflag:s17] =	ssyncadd.s32 $0xFFFFC000;
	s0 =	sadd.s32 s2, s0  }
0x40: {  	[hbm4b:s0+s4] =	stream.linear.scatter [tilespmem:s20], [sflag:$0x3], $0x8000, $0x38;
	[tilespmem:$0x10840] =	vst v63  }
.LBB2_6:
0x41: {  	p1 =	sne.s32 s30, s8  }
.Ltmp3:
0x42: {  	_ = 	snop;
	(pc) =	sbr.rel @!p1 .LBB2_7-.Ltmp3, $2  }
0x43: {  	_ =	sdelay $0x2  }
0x44: {  	s29 =	smov.u32 s30  }
.LBB2_2:
0x45: {  	s31 =	sand.u32 $0x1, s29  }
0x46: {  	s26 =	sshll.u32 s29, $0x5;
	p1 =	seq.s32 s31, $0x0  }
.Ltmp4:
0x47: {  	s28 =	sor.u32 s7, s26;
	(pc) =	sbr.rel @!p1 .LBB2_3-.Ltmp4, $4  }
0x48: {  	s26 =	sshra.s32 s28, $0x1F  }
0x49: {  	s26 =	sshrl.u32 s26, $0x1E  }
0x4a: {  	s30 =	sadd.s32 s26, s28  }
0x4b: {  	s26 =	sshra.s32 s30, $0x2  }
0x4c: {  	_ =	swait.ge [sflag:s18], $0x100  }
0x4d: {  	p2 =	slt.u32 s29, $0x2;
	[sflag:s18] =	ssyncset.done $0x0  }
0x4e: {  	s30 =	simm.s32 @!p2 $0x2;
	[sflag:s18] =	ssyncadd.s32 $0xFFFFFF00  }
0x4f: {  	_ =	swait.ge @!p2 [sflag:s30], $0x8000  }
0x50: {  	[sflag:s30] =	ssyncset.done @!p2 $0x0  }
0x51: {  	[sflag:s30] =	ssyncadd.s32 @!p2 $0xFFFF8000;
	s30 =	sor.u32 $0x1, s29  }
0x52: {  	[tilespmem:s23], [sflag:$0x1] =	stream.indirect.gather [spmem:s3], $0x80, s4, s14, $0xb8;
	[tilespmem:$0x10840] =	vst v63  }
0x53: {  	p2 =	sge.u32 s30, s8  }
0x54: {  	s15 =	sshll.u32 s26, $0x2;
	s31 =	sshll.u32 @!p2 s30, $0xD;
	s0 =	sshll.u32 @!p2 s6, $0x5  }
0x55: {  	[tilespmem:s24], [sflag:$0x1] =	stream.indirect.gather [spmem:s3], $0x80, s14, s14, $0xb8;
	[tilespmem:$0x10840] =	vst v63  }
0x56: {  	p3 =	slt.s32 s28, $0x1;
	s0 =	sor.u32 @!p2 s0, s31;
	s31 =	ssub.s32 s28, s15  }
0x57: {  	s5 =	simm.s32 @!p2 $0x80;
	s0 =	sand.u32 @!p2 $0x7FFFE380, s0;
	p4 =	sne.s32 s31, $0x0  }
0x58: {  	s9 =	simm.s32 @!p2 $0x400;
	s0 =	sor.u32 @!p2 s11, s0;
	p3 =	por !p3, !p4  }
0x59: {  	s15 =	simm.s32 $0x1;
	s0 =	sshrl.u32 @!p2 s0, $0x3;
	p3 =	por !p3, !p3  }
0x5a: {  	s10 =	simm.s32 @!p2 $0x100;
	s0 =	sadd.s32 @!p2 s1, s0;
	s15 =	simm.s32 @!p3 $0x0  }
0x5b: {  	[tilespmem:s10], [sflag:$0x4] =	stream.strided.gather @!p2 [hbm4b:s0+s5], $0x100, s9, s5, $0x38;
	[tilespmem:$0x10840] =	vst v63  }
0x5c: {  	s10 =	ssub.s32 s26, s15;
	_ =	swait.ge [sflag:s17], $0x4000  }
0x5d: {  	s15 =	sshll.u32 s31, $0xF;
	s0 =	sshll.u32 s10, $0x11;
	[sflag:s17] =	ssyncset.done $0x0  }
.Ltmp5:
0x5e: {  	s5 =	sand.u32 $0x18000, s15;
	[sflag:s17] =	ssyncadd.s32 $0xFFFFC000;
	(pc) =	sbr.rel @p1 .LBB2_6-.Ltmp5, $4  }
.Ltmp6:
0x5f: {  	s0 =	sor.u32 s5, s0;
	_ =	swait.ge [sflag:s17], $0x4000;
	(pc) =	sbr.rel @!p1 .LBB2_5-.Ltmp6, $4  }
0x60: {  	s0 =	sshrl.u32 s0, $0x3;
	[sflag:s17] =	ssyncset.done $0x0  }
0x61: {  	s0 =	sadd.s32 s2, s0;
	[sflag:s17] =	ssyncadd.s32 $0xFFFFC000  }
0x62: {  	[hbm4b:s0+s4] =	stream.linear.scatter [tilespmem:s23], [sflag:$0x2], $0x8000, $0x38;
	[tilespmem:$0x10840] =	vst v63  }
0x63: {  	_ = 	snop  }
.LBB2_8:
0x64: {  	_ =	sfence.sel $0x180000  }
0x65: {  	[bflag:$0x0] =	sbarrier.arrive $0xFFFF  }
0x66: {  	_ =	strace $0x90000047  }
0x67: {  	[bflag:$0x2] =	sbarrier.arrive $0xFFFF  }
0x68: {  	s0 =	rddreg [dreg:$0x4]  }
0x69: {  	s0 =	sadd.s32 @!p0 $0x100000, s0  }
0x6a: {  	[sflag:s0] =	ssyncadd.tile.s32 @!p0 $0x1;
	_ =	shalt  }
.Lfunc_end2:
_tile_overlayer_lowered:
.L_overlay_start_2:
0x6b: {  	(tag) =	ssettag $0x2  }
0x6c: {  	s0 =	rddreg [dreg:$0x0];
	s2 =	stileid.u32  }
0x6d: {  	s1 =	rddreg [dreg:$0x1];
	p0 =	sne.s32 s2, $0x0  }
0x6e: {  	s3 =	rddreg [dreg:$0x2];
	[bflag:$0x3] =	sbarrier.arrive $0xFFFF;
	s2 =	simm.s32 @!p0 $0x1C05  }
0x6f: {  	[timem:s3], [sflag:s2] =	dma.local @!p0 [hbm:s0], s1  }
0x70: {  	s0 =	simm.s32 @!p0 $0x5  }
0x71: {  	_ =	swait.ge @!p0 [sflag:s0], s1  }
0x72: {  	s1 =	ssub.s32 @!p0 $0x0, s1;
	[sflag:s0] =	ssyncset.done @!p0 $0x0  }
0x73: {  	[sflag:s0] =	ssyncadd.s32 @!p0 s1  }
0x74: {  	[bflag:$0x3] =	sbarrier.arrive $0xFFFF  }
0x75: {  	_ =	shalt  }

</sc_bundles>
